<compile_context>
chip_gen: v7x
topology: tpu7x:2x2x1
jax: 0.10.2.dev20260603
libtpu: 0.0.44.dev20260713+nightly
codegen_flags: <defaults>
</compile_context>

<pallas_src>
import functools

import jax
import jax.numpy as jnp
from jax import lax
from jax.experimental import pallas as pl
from jax.experimental.pallas import tpu as pltpu
from jax.experimental.pallas import tpu_sc as plsc

N_ATOMS = 1048576
EMB = 128
NUM_CORES = 2
NUM_SUBCORES = 16
NUM_WORKERS = NUM_CORES * NUM_SUBCORES
B_PER_W = N_ATOMS // NUM_WORKERS
IDX_MINOR = 128
IDX_ROWS = B_PER_W // IDX_MINOR
BUF_ROWS = 64
NBUF = 8
N_UNITS = B_PER_W // BUF_ROWS
TAB_ROWS = 104

_mesh = plsc.VectorSubcoreMesh(core_axis_name="c", subcore_axis_name="s")


@functools.partial(
    pl.kernel,
    out_type=jax.ShapeDtypeStruct((N_ATOMS, EMB), jnp.float32),
    mesh=_mesh,
    scratch_types=[
        pltpu.VMEM((IDX_ROWS, IDX_MINOR), jnp.int32),
        pltpu.VMEM((NBUF, BUF_ROWS, EMB), jnp.float32),
        pltpu.VMEM_SHARED((TAB_ROWS, EMB), jnp.float32),
        pltpu.SemaphoreType.DMA,
        pltpu.SemaphoreType.DMA,
        pltpu.SemaphoreType.DMA,
        pltpu.SemaphoreType.DMA,
        pltpu.SemaphoreType.DMA,
        pltpu.SemaphoreType.DMA,
        pltpu.SemaphoreType.DMA,
        pltpu.SemaphoreType.DMA,
        pltpu.SemaphoreType.DMA,
        pltpu.SemaphoreType.DMA,
        pltpu.SemaphoreType.DMA,
        pltpu.SemaphoreType.DMA,
        pltpu.SemaphoreType.DMA,
        pltpu.SemaphoreType.DMA,
        pltpu.SemaphoreType.DMA,
        pltpu.SemaphoreType.DMA,
        pltpu.SemaphoreType.DMA,

    ],
)
def _emb_lookup(
    table_hbm, z2d_hbm, out_hbm,
    idx_v, rows_v, table_sh, i_sem,
    g_sem0, g_sem1, g_sem2, g_sem3, g_sem4, g_sem5, g_sem6, g_sem7,
    st_sem0, st_sem1, st_sem2, st_sem3, st_sem4, st_sem5, st_sem6, st_sem7,
):
    wid = lax.axis_index("s") * NUM_CORES + lax.axis_index("c")
    base = wid * B_PER_W
    g_sems = (g_sem0, g_sem1, g_sem2, g_sem3, g_sem4, g_sem5, g_sem6, g_sem7)
    st_sems = (st_sem0, st_sem1, st_sem2, st_sem3, st_sem4, st_sem5, st_sem6, st_sem7)

    idx_row = pl.multiple_of(wid * IDX_ROWS, IDX_ROWS)
    idx_cp = pltpu.async_copy(
        z2d_hbm.at[pl.ds(idx_row, IDX_ROWS)], idx_v, i_sem
    )

    @pl.when(lax.axis_index("s") == 0)
    def _():
        pltpu.sync_copy(table_hbm, table_sh)

    plsc.subcore_barrier()
    idx_cp.wait()

    def issue_gather(u, b):
        pltpu.async_copy(
            table_sh.at[idx_v.at[u // 2, pl.ds((u % 2) * BUF_ROWS, BUF_ROWS)]],
            rows_v.at[b],
            g_sems[b],
        )

    def wait_gather(b):
        pltpu.make_async_copy(
            table_sh.at[idx_v.at[0, pl.ds(0, BUF_ROWS)]], rows_v.at[b], g_sems[b]
        ).wait()

    def issue_store(u, b):
        pltpu.async_copy(
            rows_v.at[b],
            out_hbm.at[pl.ds(base + u * BUF_ROWS, BUF_ROWS)],
            st_sems[b],
        )

    def wait_store(b):
        pltpu.make_async_copy(
            rows_v.at[b], out_hbm.at[pl.ds(0, BUF_ROWS)], st_sems[b]
        ).wait()

    def body(s, carry):
        for j in range(NBUF):
            u = NBUF * s + j
            b = j
            pb = (j - 2) % NBUF
            if j < 2:
                @pl.when(s > 0)
                def _():
                    wait_store(b)
                    issue_gather(u, b)
                    wait_gather(pb)
                    issue_store(u - 2, pb)
                @pl.when(s == 0)
                def _():
                    issue_gather(u, b)
            else:
                @pl.when(s > 0)
                def _():
                    wait_store(b)
                issue_gather(u, b)
                wait_gather(pb)
                issue_store(u - 2, pb)
        return carry

    lax.fori_loop(0, N_UNITS // NBUF, body, 0)
    for k in (2, 1):
        wait_gather(NBUF - k)
        issue_store(N_UNITS - k, NBUF - k)
    for b in range(NBUF):
        wait_store(b)


def kernel(Z, embeddings):
    table = jnp.concatenate(
        [
            jnp.zeros((1, EMB), embeddings.dtype),
            embeddings,
            jnp.zeros((TAB_ROWS - 1 - embeddings.shape[0], EMB), embeddings.dtype),
        ],
        axis=0,
    )
    z2d = Z.astype(jnp.int32).reshape(N_ATOMS // IDX_MINOR, IDX_MINOR)
    return _emb_lookup(table, z2d)

# --- scband reference (transcript-rebuilt; emitter-appended) ---
"""Pipeline reference for scband-atom-embedding-35416300323521 (READ-ONLY COPY).

The authoritative reference and input builder live on the scoring server;
editing this copy changes nothing except your own understanding.
"""

import jax, jax.numpy as jnp
import numpy as np

MAX_ATOMIC_NUM = 100
EMB_SIZE = 128
N_ATOMS = 1048576

def setup_inputs(seed: int = 0) -> dict:
    key = jax.random.key(seed)
    k1, k2 = jax.random.split(key)
    # Atomic numbers Z in [1, MAX_ATOMIC_NUM] (module indexes with Z-1)
    Z = jax.random.randint(k1, (N_ATOMS,), 1, MAX_ATOMIC_NUM + 1, dtype=jnp.int64 if jax.config.jax_enable_x64 else jnp.int32)
    # Embedding table initialized uniform(-sqrt(3), sqrt(3)) as in the module
    embeddings = jax.random.uniform(k2, (MAX_ATOMIC_NUM, EMB_SIZE), dtype=jnp.float32,
                                    minval=-np.sqrt(3), maxval=np.sqrt(3))
    return {"Z": Z, "embeddings": embeddings}

def reference(Z, embeddings):
    # h = self.embeddings(Z - 1)
    h = jnp.take(embeddings, Z - 1, axis=0)
    return h

if __name__ == "__main__":
    import jax
    _d = setup_inputs()
    print(jax.jit(kernel)(*tuple(_d.values())))

</pallas_src>

<mosaic_0001>
#map = affine_map<(d0, d1) -> (0, 0)>
module attributes {stable_mosaic.version = 14 : i64} {
  func.func @_emb_lookup(%arg0: i32, %arg1: i32, %arg2: memref<104x128xf32, #tpu.memory_space<hbm>>, %arg3: memref<8192x128xi32, #tpu.memory_space<hbm>>, %arg4: memref<1048576x128xf32, #tpu.memory_space<hbm>>, %arg5: memref<256x128xi32, #tpu.memory_space<vmem>>, %arg6: memref<8x64x128xf32, #tpu.memory_space<vmem>>, %arg7: memref<104x128xf32, #tpu.memory_space<vmem_shared>>, %arg8: memref<!tpu.dma_semaphore, #tpu.memory_space<semaphore_mem>>, %arg9: memref<!tpu.dma_semaphore, #tpu.memory_space<semaphore_mem>>, %arg10: memref<!tpu.dma_semaphore, #tpu.memory_space<semaphore_mem>>, %arg11: memref<!tpu.dma_semaphore, #tpu.memory_space<semaphore_mem>>, %arg12: memref<!tpu.dma_semaphore, #tpu.memory_space<semaphore_mem>>, %arg13: memref<!tpu.dma_semaphore, #tpu.memory_space<semaphore_mem>>, %arg14: memref<!tpu.dma_semaphore, #tpu.memory_space<semaphore_mem>>, %arg15: memref<!tpu.dma_semaphore, #tpu.memory_space<semaphore_mem>>, %arg16: memref<!tpu.dma_semaphore, #tpu.memory_space<semaphore_mem>>, %arg17: memref<!tpu.dma_semaphore, #tpu.memory_space<semaphore_mem>>, %arg18: memref<!tpu.dma_semaphore, #tpu.memory_space<semaphore_mem>>, %arg19: memref<!tpu.dma_semaphore, #tpu.memory_space<semaphore_mem>>, %arg20: memref<!tpu.dma_semaphore, #tpu.memory_space<semaphore_mem>>, %arg21: memref<!tpu.dma_semaphore, #tpu.memory_space<semaphore_mem>>, %arg22: memref<!tpu.dma_semaphore, #tpu.memory_space<semaphore_mem>>, %arg23: memref<!tpu.dma_semaphore, #tpu.memory_space<semaphore_mem>>, %arg24: memref<!tpu.dma_semaphore, #tpu.memory_space<semaphore_mem>>) attributes {dimension_semantics = [#tpu.dimension_semantics<core_parallel>, #tpu.dimension_semantics<subcore_parallel>], iteration_bounds = array<i64: 2, 16>, scalar_prefetch = 0 : i64, scratch_operands = 20 : i64, tpu.core_type = #tpu.core_type<sc_vector_subcore>, window_params = [{transform_indices = #map}, {transform_indices = #map}, {transform_indices = #map}]} {
    %mul3A = arith.constant 2 : i32
    %mul3A_0 = arith.muli %arg1, %mul3A : i32
    %add3A = arith.addi %mul3A_0, %arg0 : i32
    %mul3A_1 = arith.constant 32768 : i32
    %mul3A_2 = arith.muli %add3A, %mul3A_1 : i32
    %mul3A_3 = arith.constant 256 : i32
    %mul3A_4 = arith.muli %add3A, %mul3A_3 : i32
    %multiple_of3A = tpu.assume_multiple %mul3A_4, 256 : i32
    %dma_start3A = arith.constant 0 : i32
    %dma_start3A_5 = tpu.memref_slice %arg3[%multiple_of3A, %dma_start3A] : memref<8192x128xi32, #tpu.memory_space<hbm>> -> memref<256x128xi32, #tpu.memory_space<hbm>>
    %dma_start3A_6 = arith.constant 0 : i32
    %dma_start3A_7 = tpu.memref_slice %arg3[%multiple_of3A, %dma_start3A_6] : memref<8192x128xi32, #tpu.memory_space<hbm>> -> memref<256x128xi32, #tpu.memory_space<hbm>>
    tpu.enqueue_dma source(%dma_start3A_7 : memref<256x128xi32, #tpu.memory_space<hbm>>) target(%arg5 : memref<256x128xi32, #tpu.memory_space<vmem>>) target_semaphore(%arg8 : memref<!tpu.dma_semaphore, #tpu.memory_space<semaphore_mem>>)
    %eq3A = arith.constant 0 : i32
    %eq3A_8 = arith.cmpi eq, %arg1, %eq3A : i32
    %convert_element_type3A = arith.extui %eq3A_8 : i1 to i32
    %cond3A = arith.constant 0 : i32
    %cond3A_9 = arith.cmpi ne, %convert_element_type3A, %cond3A : i32
    scf.if %cond3A_9 {
      "tpu.region"() ({
        %run_scoped3A = tpu.sem_alloc : memref<!tpu.dma_semaphore, #tpu.memory_space<semaphore_mem>>
        tpu.enqueue_dma source(%arg2 : memref<104x128xf32, #tpu.memory_space<hbm>>) target(%arg7 : memref<104x128xf32, #tpu.memory_space<vmem_shared>>) target_semaphore(%run_scoped3A : memref<!tpu.dma_semaphore, #tpu.memory_space<semaphore_mem>>)
        tpu.wait_dma2 semaphore(%run_scoped3A : memref<!tpu.dma_semaphore, #tpu.memory_space<semaphore_mem>>) src(%arg2 : memref<104x128xf32, #tpu.memory_space<hbm>>) dst(%arg7 : memref<104x128xf32, #tpu.memory_space<vmem_shared>>)
        tpu.yield
      }) : () -> ()
    } else {
    }
    %barrier3A = arith.constant 0 : index
    tpu.barrier barrier_id(%barrier3A)
    %dma_wait3A = arith.constant 0 : i32
    %dma_wait3A_10 = tpu.memref_slice %arg3[%multiple_of3A, %dma_wait3A] : memref<8192x128xi32, #tpu.memory_space<hbm>> -> memref<256x128xi32, #tpu.memory_space<hbm>>
    %dma_wait3A_11 = arith.constant 0 : i32
    %dma_wait3A_12 = tpu.memref_slice %arg3[%multiple_of3A, %dma_wait3A_11] : memref<8192x128xi32, #tpu.memory_space<hbm>> -> memref<256x128xi32, #tpu.memory_space<hbm>>
    tpu.wait_dma2 semaphore(%arg8 : memref<!tpu.dma_semaphore, #tpu.memory_space<semaphore_mem>>) src(%dma_wait3A_12 : memref<256x128xi32, #tpu.memory_space<hbm>>) dst(%arg5 : memref<256x128xi32, #tpu.memory_space<vmem>>)
    %scan3A = arith.constant 0 : i32
    %scan3A_13 = arith.constant 0 : i32
    %scan3A_14 = arith.constant 64 : i32
    %scan3A_15 = arith.addi %scan3A_13, %scan3A_14 : i32
    %scan3A_16 = arith.constant 1 : i32
    scf.for %scan3A_192 = %scan3A_13 to %scan3A_15 step %scan3A_16  : i32 {
      %mul3A_193 = arith.constant 8 : i32
      %mul3A_194 = arith.muli %mul3A_193, %scan3A_192 : i32
      %add3A_195 = arith.constant 0 : i32
      %add3A_196 = arith.addi %mul3A_194, %add3A_195 : i32
      %gt3A = arith.constant 0 : i32
      %gt3A_197 = arith.cmpi sgt, %scan3A_192, %gt3A : i32
      %convert_element_type3A_198 = arith.extui %gt3A_197 : i1 to i32
      %cond3A_199 = arith.constant 0 : i32
      %cond3A_200 = arith.cmpi ne, %convert_element_type3A_198, %cond3A_199 : i32
      scf.if %cond3A_200 {
        %dma_wait3A_757 = arith.constant 0 : i32
        %dma_wait3A_758 = arith.constant 0 : i32
        %dma_wait3A_759 = arith.constant 0 : i32
        %dma_wait3A_760 = tpu.memref_slice %arg6[%dma_wait3A_757, %dma_wait3A_758, %dma_wait3A_759] : memref<8x64x128xf32, #tpu.memory_space<vmem>> -> memref<1x64x128xf32, #tpu.memory_space<vmem>>
        %dma_wait3A_761 = tpu.memref_squeeze %dma_wait3A_760 : memref<1x64x128xf32, #tpu.memory_space<vmem>> -> memref<64x128xf32, #tpu.memory_space<vmem>>
        %dma_wait3A_762 = arith.constant 0 : i32
        %dma_wait3A_763 = arith.constant 0 : i32
        %dma_wait3A_764 = tpu.memref_slice %arg4[%dma_wait3A_762, %dma_wait3A_763] : memref<1048576x128xf32, #tpu.memory_space<hbm>> -> memref<64x128xf32, #tpu.memory_space<hbm>>
        %dma_wait3A_765 = arith.constant 0 : i32
        %dma_wait3A_766 = arith.constant 0 : i32
        %dma_wait3A_767 = tpu.memref_slice %arg4[%dma_wait3A_765, %dma_wait3A_766] : memref<1048576x128xf32, #tpu.memory_space<hbm>> -> memref<64x128xf32, #tpu.memory_space<hbm>>
        %dma_wait3A_768 = arith.constant 0 : i32
        %dma_wait3A_769 = arith.constant 0 : i32
        %dma_wait3A_770 = tpu.memref_slice %arg6[%dma_wait3A_757, %dma_wait3A_768, %dma_wait3A_769] : memref<8x64x128xf32, #tpu.memory_space<vmem>> -> memref<1x64x128xf32, #tpu.memory_space<vmem>>
        %dma_wait3A_771 = tpu.memref_squeeze %dma_wait3A_770 : memref<1x64x128xf32, #tpu.memory_space<vmem>> -> memref<64x128xf32, #tpu.memory_space<vmem>>
        tpu.wait_dma2 semaphore(%arg17 : memref<!tpu.dma_semaphore, #tpu.memory_space<semaphore_mem>>) src(%dma_wait3A_771 : memref<64x128xf32, #tpu.memory_space<vmem>>) dst(%dma_wait3A_767 : memref<64x128xf32, #tpu.memory_space<hbm>>)
        %jit3A_772 = arith.constant 2 : i32
        %div3A_773 = arith.divsi %add3A_196, %jit3A_772 : i32
        %sign3A_774 = arith.constant 0 : i32
        %sign3A_775 = arith.cmpi sgt, %add3A_196, %sign3A_774 : i32
        %sign3A_776 = arith.extui %sign3A_775 : i1 to i32
        %sign3A_777 = arith.constant 0 : i32
        %sign3A_778 = arith.cmpi slt, %add3A_196, %sign3A_777 : i32
        %sign3A_779 = arith.extui %sign3A_778 : i1 to i32
        %sign3A_780 = arith.subi %sign3A_776, %sign3A_779 : i32
        %sign3A_781 = arith.constant 0 : i32
        %sign3A_782 = arith.cmpi sgt, %jit3A_772, %sign3A_781 : i32
        %sign3A_783 = arith.extui %sign3A_782 : i1 to i32
        %sign3A_784 = arith.constant 0 : i32
        %sign3A_785 = arith.cmpi slt, %jit3A_772, %sign3A_784 : i32
        %sign3A_786 = arith.extui %sign3A_785 : i1 to i32
        %sign3A_787 = arith.subi %sign3A_783, %sign3A_786 : i32
        %ne3A_788 = arith.cmpi ne, %sign3A_780, %sign3A_787 : i32
        %rem3A_789 = arith.remsi %add3A_196, %jit3A_772 : i32
        %ne3A_790 = arith.constant 0 : i32
        %ne3A_791 = arith.cmpi ne, %rem3A_789, %ne3A_790 : i32
        %and3A_792 = arith.andi %ne3A_788, %ne3A_791 : i1
        %sub3A_793 = arith.constant 1 : i32
        %sub3A_794 = arith.subi %div3A_773, %sub3A_793 : i32
        %select_n3A_795 = arith.select %and3A_792, %sub3A_794, %div3A_773 : i32
        %jit3A_796 = arith.constant 2 : i32
        %eq3A_797 = arith.constant 0 : i32
        %eq3A_798 = arith.cmpi eq, %jit3A_796, %eq3A_797 : i32
        %jit3A_799 = arith.constant 1 : i32
        %select_n3A_800 = arith.select %eq3A_798, %jit3A_799, %jit3A_796 : i32
        %rem3A_801 = arith.remsi %add3A_196, %select_n3A_800 : i32
        %ne3A_802 = arith.constant 0 : i32
        %ne3A_803 = arith.cmpi ne, %rem3A_801, %ne3A_802 : i32
        %lt3A_804 = arith.constant 0 : i32
        %lt3A_805 = arith.cmpi slt, %rem3A_801, %lt3A_804 : i32
        %lt3A_806 = arith.constant 0 : i32
        %lt3A_807 = arith.cmpi slt, %select_n3A_800, %lt3A_806 : i32
        %ne3A_808 = arith.xori %lt3A_805, %lt3A_807 : i1
        %and3A_809 = arith.andi %ne3A_808, %ne3A_803 : i1
        %add3A_810 = arith.addi %rem3A_801, %select_n3A_800 : i32
        %select_n3A_811 = arith.select %and3A_809, %add3A_810, %rem3A_801 : i32
        %mul3A_812 = arith.constant 64 : i32
        %mul3A_813 = arith.muli %select_n3A_811, %mul3A_812 : i32
        %dma_start3A_814 = arith.constant 0 : i32
        %dma_start3A_815 = arith.constant 0 : i32
        %dma_start3A_816 = arith.constant 0 : i32
        %dma_start3A_817 = tpu.memref_slice %arg6[%dma_start3A_814, %dma_start3A_815, %dma_start3A_816] : memref<8x64x128xf32, #tpu.memory_space<vmem>> -> memref<1x64x128xf32, #tpu.memory_space<vmem>>
        %dma_start3A_818 = tpu.memref_squeeze %dma_start3A_817 : memref<1x64x128xf32, #tpu.memory_space<vmem>> -> memref<64x128xf32, #tpu.memory_space<vmem>>
        %dma_start3A_819 = tpu.memref_slice %arg5[%select_n3A_795, %mul3A_813] : memref<256x128xi32, #tpu.memory_space<vmem>> -> memref<1x64xi32, #tpu.memory_space<vmem>>
        %dma_start3A_820 = tpu.memref_squeeze %dma_start3A_819 : memref<1x64xi32, #tpu.memory_space<vmem>> -> memref<64xi32, #tpu.memory_space<vmem>>
        %dma_start3A_821 = arith.constant 0 : i32
        %dma_start3A_822 = arith.constant 0 : i32
        %dma_start3A_823 = tpu.memref_slice %arg7[%dma_start3A_821, %dma_start3A_822] : memref<104x128xf32, #tpu.memory_space<vmem_shared>> -> memref<104x128xf32, #tpu.memory_space<vmem_shared>>
        tpu.enqueue_indirect_dma source(%dma_start3A_823 : memref<104x128xf32, #tpu.memory_space<vmem_shared>>) target(%dma_start3A_818 : memref<64x128xf32, #tpu.memory_space<vmem>>) offsets(%dma_start3A_820 : memref<64xi32, #tpu.memory_space<vmem>>) semaphore(%arg9 : memref<!tpu.dma_semaphore, #tpu.memory_space<semaphore_mem>>)
        %dma_wait3A_824 = arith.constant 0 : i32
        %dma_wait3A_825 = arith.constant 6 : i32
        %dma_wait3A_826 = arith.constant 0 : i32
        %dma_wait3A_827 = arith.constant 0 : i32
        %dma_wait3A_828 = tpu.memref_slice %arg6[%dma_wait3A_825, %dma_wait3A_826, %dma_wait3A_827] : memref<8x64x128xf32, #tpu.memory_space<vmem>> -> memref<1x64x128xf32, #tpu.memory_space<vmem>>
        %dma_wait3A_829 = tpu.memref_squeeze %dma_wait3A_828 : memref<1x64x128xf32, #tpu.memory_space<vmem>> -> memref<64x128xf32, #tpu.memory_space<vmem>>
        %dma_wait3A_830 = arith.constant 0 : i32
        %dma_wait3A_831 = tpu.memref_slice %arg5[%dma_wait3A_824, %dma_wait3A_830] : memref<256x128xi32, #tpu.memory_space<vmem>> -> memref<1x64xi32, #tpu.memory_space<vmem>>
        %dma_wait3A_832 = tpu.memref_squeeze %dma_wait3A_831 : memref<1x64xi32, #tpu.memory_space<vmem>> -> memref<64xi32, #tpu.memory_space<vmem>>
        %dma_wait3A_833 = arith.constant 0 : i32
        %dma_wait3A_834 = arith.constant 0 : i32
        %dma_wait3A_835 = tpu.memref_slice %arg7[%dma_wait3A_833, %dma_wait3A_834] : memref<104x128xf32, #tpu.memory_space<vmem_shared>> -> memref<104x128xf32, #tpu.memory_space<vmem_shared>>
        tpu.wait_indirect_dma semaphore(%arg15 : memref<!tpu.dma_semaphore, #tpu.memory_space<semaphore_mem>>) src(%dma_wait3A_835 : memref<104x128xf32, #tpu.memory_space<vmem_shared>>) dst(%dma_wait3A_829 : memref<64x128xf32, #tpu.memory_space<vmem>>)
        %sub3A_836 = arith.constant 2 : i32
        %sub3A_837 = arith.subi %add3A_196, %sub3A_836 : i32
        %mul3A_838 = arith.constant 64 : i32
        %mul3A_839 = arith.muli %sub3A_837, %mul3A_838 : i32
        %add3A_840 = arith.addi %mul3A_2, %mul3A_839 : i32
        %dma_start3A_841 = arith.constant 6 : i32
        %dma_start3A_842 = arith.constant 0 : i32
        %dma_start3A_843 = arith.constant 0 : i32
        %dma_start3A_844 = tpu.memref_slice %arg6[%dma_start3A_841, %dma_start3A_842, %dma_start3A_843] : memref<8x64x128xf32, #tpu.memory_space<vmem>> -> memref<1x64x128xf32, #tpu.memory_space<vmem>>
        %dma_start3A_845 = tpu.memref_squeeze %dma_start3A_844 : memref<1x64x128xf32, #tpu.memory_space<vmem>> -> memref<64x128xf32, #tpu.memory_space<vmem>>
        %dma_start3A_846 = arith.constant 0 : i32
        %dma_start3A_847 = tpu.memref_slice %arg4[%add3A_840, %dma_start3A_846] : memref<1048576x128xf32, #tpu.memory_space<hbm>> -> memref<64x128xf32, #tpu.memory_space<hbm>>
        %dma_start3A_848 = arith.constant 0 : i32
        %dma_start3A_849 = tpu.memref_slice %arg4[%add3A_840, %dma_start3A_848] : memref<1048576x128xf32, #tpu.memory_space<hbm>> -> memref<64x128xf32, #tpu.memory_space<hbm>>
        %dma_start3A_850 = arith.constant 0 : i32
        %dma_start3A_851 = arith.constant 0 : i32
        %dma_start3A_852 = tpu.memref_slice %arg6[%dma_start3A_841, %dma_start3A_850, %dma_start3A_851] : memref<8x64x128xf32, #tpu.memory_space<vmem>> -> memref<1x64x128xf32, #tpu.memory_space<vmem>>
        %dma_start3A_853 = tpu.memref_squeeze %dma_start3A_852 : memref<1x64x128xf32, #tpu.memory_space<vmem>> -> memref<64x128xf32, #tpu.memory_space<vmem>>
        tpu.enqueue_dma source(%dma_start3A_853 : memref<64x128xf32, #tpu.memory_space<vmem>>) target(%dma_start3A_849 : memref<64x128xf32, #tpu.memory_space<hbm>>) target_semaphore(%arg23 : memref<!tpu.dma_semaphore, #tpu.memory_space<semaphore_mem>>)
      } else {
      }
      %eq3A_201 = arith.constant 0 : i32
      %eq3A_202 = arith.cmpi eq, %scan3A_192, %eq3A_201 : i32
      %convert_element_type3A_203 = arith.extui %eq3A_202 : i1 to i32
      %cond3A_204 = arith.constant 0 : i32
      %cond3A_205 = arith.cmpi ne, %convert_element_type3A_203, %cond3A_204 : i32
      scf.if %cond3A_205 {
        %jit3A_757 = arith.constant 2 : i32
        %div3A_758 = arith.divsi %add3A_196, %jit3A_757 : i32
        %sign3A_759 = arith.constant 0 : i32
        %sign3A_760 = arith.cmpi sgt, %add3A_196, %sign3A_759 : i32
        %sign3A_761 = arith.extui %sign3A_760 : i1 to i32
        %sign3A_762 = arith.constant 0 : i32
        %sign3A_763 = arith.cmpi slt, %add3A_196, %sign3A_762 : i32
        %sign3A_764 = arith.extui %sign3A_763 : i1 to i32
        %sign3A_765 = arith.subi %sign3A_761, %sign3A_764 : i32
        %sign3A_766 = arith.constant 0 : i32
        %sign3A_767 = arith.cmpi sgt, %jit3A_757, %sign3A_766 : i32
        %sign3A_768 = arith.extui %sign3A_767 : i1 to i32
        %sign3A_769 = arith.constant 0 : i32
        %sign3A_770 = arith.cmpi slt, %jit3A_757, %sign3A_769 : i32
        %sign3A_771 = arith.extui %sign3A_770 : i1 to i32
        %sign3A_772 = arith.subi %sign3A_768, %sign3A_771 : i32
        %ne3A_773 = arith.cmpi ne, %sign3A_765, %sign3A_772 : i32
        %rem3A_774 = arith.remsi %add3A_196, %jit3A_757 : i32
        %ne3A_775 = arith.constant 0 : i32
        %ne3A_776 = arith.cmpi ne, %rem3A_774, %ne3A_775 : i32
        %and3A_777 = arith.andi %ne3A_773, %ne3A_776 : i1
        %sub3A_778 = arith.constant 1 : i32
        %sub3A_779 = arith.subi %div3A_758, %sub3A_778 : i32
        %select_n3A_780 = arith.select %and3A_777, %sub3A_779, %div3A_758 : i32
        %jit3A_781 = arith.constant 2 : i32
        %eq3A_782 = arith.constant 0 : i32
        %eq3A_783 = arith.cmpi eq, %jit3A_781, %eq3A_782 : i32
        %jit3A_784 = arith.constant 1 : i32
        %select_n3A_785 = arith.select %eq3A_783, %jit3A_784, %jit3A_781 : i32
        %rem3A_786 = arith.remsi %add3A_196, %select_n3A_785 : i32
        %ne3A_787 = arith.constant 0 : i32
        %ne3A_788 = arith.cmpi ne, %rem3A_786, %ne3A_787 : i32
        %lt3A_789 = arith.constant 0 : i32
        %lt3A_790 = arith.cmpi slt, %rem3A_786, %lt3A_789 : i32
        %lt3A_791 = arith.constant 0 : i32
        %lt3A_792 = arith.cmpi slt, %select_n3A_785, %lt3A_791 : i32
        %ne3A_793 = arith.xori %lt3A_790, %lt3A_792 : i1
        %and3A_794 = arith.andi %ne3A_793, %ne3A_788 : i1
        %add3A_795 = arith.addi %rem3A_786, %select_n3A_785 : i32
        %select_n3A_796 = arith.select %and3A_794, %add3A_795, %rem3A_786 : i32
        %mul3A_797 = arith.constant 64 : i32
        %mul3A_798 = arith.muli %select_n3A_796, %mul3A_797 : i32
        %dma_start3A_799 = arith.constant 0 : i32
        %dma_start3A_800 = arith.constant 0 : i32
        %dma_start3A_801 = arith.constant 0 : i32
        %dma_start3A_802 = tpu.memref_slice %arg6[%dma_start3A_799, %dma_start3A_800, %dma_start3A_801] : memref<8x64x128xf32, #tpu.memory_space<vmem>> -> memref<1x64x128xf32, #tpu.memory_space<vmem>>
        %dma_start3A_803 = tpu.memref_squeeze %dma_start3A_802 : memref<1x64x128xf32, #tpu.memory_space<vmem>> -> memref<64x128xf32, #tpu.memory_space<vmem>>
        %dma_start3A_804 = tpu.memref_slice %arg5[%select_n3A_780, %mul3A_798] : memref<256x128xi32, #tpu.memory_space<vmem>> -> memref<1x64xi32, #tpu.memory_space<vmem>>
        %dma_start3A_805 = tpu.memref_squeeze %dma_start3A_804 : memref<1x64xi32, #tpu.memory_space<vmem>> -> memref<64xi32, #tpu.memory_space<vmem>>
        %dma_start3A_806 = arith.constant 0 : i32
        %dma_start3A_807 = arith.constant 0 : i32
        %dma_start3A_808 = tpu.memref_slice %arg7[%dma_start3A_806, %dma_start3A_807] : memref<104x128xf32, #tpu.memory_space<vmem_shared>> -> memref<104x128xf32, #tpu.memory_space<vmem_shared>>
        tpu.enqueue_indirect_dma source(%dma_start3A_808 : memref<104x128xf32, #tpu.memory_space<vmem_shared>>) target(%dma_start3A_803 : memref<64x128xf32, #tpu.memory_space<vmem>>) offsets(%dma_start3A_805 : memref<64xi32, #tpu.memory_space<vmem>>) semaphore(%arg9 : memref<!tpu.dma_semaphore, #tpu.memory_space<semaphore_mem>>)
      } else {
      }
      %mul3A_206 = arith.constant 8 : i32
      %mul3A_207 = arith.muli %mul3A_206, %scan3A_192 : i32
      %add3A_208 = arith.constant 1 : i32
      %add3A_209 = arith.addi %mul3A_207, %add3A_208 : i32
      %gt3A_210 = arith.constant 0 : i32
      %gt3A_211 = arith.cmpi sgt, %scan3A_192, %gt3A_210 : i32
      %convert_element_type3A_212 = arith.extui %gt3A_211 : i1 to i32
      %cond3A_213 = arith.constant 0 : i32
      %cond3A_214 = arith.cmpi ne, %convert_element_type3A_212, %cond3A_213 : i32
      scf.if %cond3A_214 {
        %dma_wait3A_757 = arith.constant 1 : i32
        %dma_wait3A_758 = arith.constant 0 : i32
        %dma_wait3A_759 = arith.constant 0 : i32
        %dma_wait3A_760 = tpu.memref_slice %arg6[%dma_wait3A_757, %dma_wait3A_758, %dma_wait3A_759] : memref<8x64x128xf32, #tpu.memory_space<vmem>> -> memref<1x64x128xf32, #tpu.memory_space<vmem>>
        %dma_wait3A_761 = tpu.memref_squeeze %dma_wait3A_760 : memref<1x64x128xf32, #tpu.memory_space<vmem>> -> memref<64x128xf32, #tpu.memory_space<vmem>>
        %dma_wait3A_762 = arith.constant 0 : i32
        %dma_wait3A_763 = arith.constant 0 : i32
        %dma_wait3A_764 = tpu.memref_slice %arg4[%dma_wait3A_762, %dma_wait3A_763] : memref<1048576x128xf32, #tpu.memory_space<hbm>> -> memref<64x128xf32, #tpu.memory_space<hbm>>
        %dma_wait3A_765 = arith.constant 0 : i32
        %dma_wait3A_766 = arith.constant 0 : i32
        %dma_wait3A_767 = tpu.memref_slice %arg4[%dma_wait3A_765, %dma_wait3A_766] : memref<1048576x128xf32, #tpu.memory_space<hbm>> -> memref<64x128xf32, #tpu.memory_space<hbm>>
        %dma_wait3A_768 = arith.constant 0 : i32
        %dma_wait3A_769 = arith.constant 0 : i32
        %dma_wait3A_770 = tpu.memref_slice %arg6[%dma_wait3A_757, %dma_wait3A_768, %dma_wait3A_769] : memref<8x64x128xf32, #tpu.memory_space<vmem>> -> memref<1x64x128xf32, #tpu.memory_space<vmem>>
        %dma_wait3A_771 = tpu.memref_squeeze %dma_wait3A_770 : memref<1x64x128xf32, #tpu.memory_space<vmem>> -> memref<64x128xf32, #tpu.memory_space<vmem>>
        tpu.wait_dma2 semaphore(%arg18 : memref<!tpu.dma_semaphore, #tpu.memory_space<semaphore_mem>>) src(%dma_wait3A_771 : memref<64x128xf32, #tpu.memory_space<vmem>>) dst(%dma_wait3A_767 : memref<64x128xf32, #tpu.memory_space<hbm>>)
        %jit3A_772 = arith.constant 2 : i32
        %div3A_773 = arith.divsi %add3A_209, %jit3A_772 : i32
        %sign3A_774 = arith.constant 0 : i32
        %sign3A_775 = arith.cmpi sgt, %add3A_209, %sign3A_774 : i32
        %sign3A_776 = arith.extui %sign3A_775 : i1 to i32
        %sign3A_777 = arith.constant 0 : i32
        %sign3A_778 = arith.cmpi slt, %add3A_209, %sign3A_777 : i32
        %sign3A_779 = arith.extui %sign3A_778 : i1 to i32
        %sign3A_780 = arith.subi %sign3A_776, %sign3A_779 : i32
        %sign3A_781 = arith.constant 0 : i32
        %sign3A_782 = arith.cmpi sgt, %jit3A_772, %sign3A_781 : i32
        %sign3A_783 = arith.extui %sign3A_782 : i1 to i32
        %sign3A_784 = arith.constant 0 : i32
        %sign3A_785 = arith.cmpi slt, %jit3A_772, %sign3A_784 : i32
        %sign3A_786 = arith.extui %sign3A_785 : i1 to i32
        %sign3A_787 = arith.subi %sign3A_783, %sign3A_786 : i32
        %ne3A_788 = arith.cmpi ne, %sign3A_780, %sign3A_787 : i32
        %rem3A_789 = arith.remsi %add3A_209, %jit3A_772 : i32
        %ne3A_790 = arith.constant 0 : i32
        %ne3A_791 = arith.cmpi ne, %rem3A_789, %ne3A_790 : i32
        %and3A_792 = arith.andi %ne3A_788, %ne3A_791 : i1
        %sub3A_793 = arith.constant 1 : i32
        %sub3A_794 = arith.subi %div3A_773, %sub3A_793 : i32
        %select_n3A_795 = arith.select %and3A_792, %sub3A_794, %div3A_773 : i32
        %jit3A_796 = arith.constant 2 : i32
        %eq3A_797 = arith.constant 0 : i32
        %eq3A_798 = arith.cmpi eq, %jit3A_796, %eq3A_797 : i32
        %jit3A_799 = arith.constant 1 : i32
        %select_n3A_800 = arith.select %eq3A_798, %jit3A_799, %jit3A_796 : i32
        %rem3A_801 = arith.remsi %add3A_209, %select_n3A_800 : i32
        %ne3A_802 = arith.constant 0 : i32
        %ne3A_803 = arith.cmpi ne, %rem3A_801, %ne3A_802 : i32
        %lt3A_804 = arith.constant 0 : i32
        %lt3A_805 = arith.cmpi slt, %rem3A_801, %lt3A_804 : i32
        %lt3A_806 = arith.constant 0 : i32
        %lt3A_807 = arith.cmpi slt, %select_n3A_800, %lt3A_806 : i32
        %ne3A_808 = arith.xori %lt3A_805, %lt3A_807 : i1
        %and3A_809 = arith.andi %ne3A_808, %ne3A_803 : i1
        %add3A_810 = arith.addi %rem3A_801, %select_n3A_800 : i32
        %select_n3A_811 = arith.select %and3A_809, %add3A_810, %rem3A_801 : i32
        %mul3A_812 = arith.constant 64 : i32
        %mul3A_813 = arith.muli %select_n3A_811, %mul3A_812 : i32
        %dma_start3A_814 = arith.constant 1 : i32
        %dma_start3A_815 = arith.constant 0 : i32
        %dma_start3A_816 = arith.constant 0 : i32
        %dma_start3A_817 = tpu.memref_slice %arg6[%dma_start3A_814, %dma_start3A_815, %dma_start3A_816] : memref<8x64x128xf32, #tpu.memory_space<vmem>> -> memref<1x64x128xf32, #tpu.memory_space<vmem>>
        %dma_start3A_818 = tpu.memref_squeeze %dma_start3A_817 : memref<1x64x128xf32, #tpu.memory_space<vmem>> -> memref<64x128xf32, #tpu.memory_space<vmem>>
        %dma_start3A_819 = tpu.memref_slice %arg5[%select_n3A_795, %mul3A_813] : memref<256x128xi32, #tpu.memory_space<vmem>> -> memref<1x64xi32, #tpu.memory_space<vmem>>
        %dma_start3A_820 = tpu.memref_squeeze %dma_start3A_819 : memref<1x64xi32, #tpu.memory_space<vmem>> -> memref<64xi32, #tpu.memory_space<vmem>>
        %dma_start3A_821 = arith.constant 0 : i32
        %dma_start3A_822 = arith.constant 0 : i32
        %dma_start3A_823 = tpu.memref_slice %arg7[%dma_start3A_821, %dma_start3A_822] : memref<104x128xf32, #tpu.memory_space<vmem_shared>> -> memref<104x128xf32, #tpu.memory_space<vmem_shared>>
        tpu.enqueue_indirect_dma source(%dma_start3A_823 : memref<104x128xf32, #tpu.memory_space<vmem_shared>>) target(%dma_start3A_818 : memref<64x128xf32, #tpu.memory_space<vmem>>) offsets(%dma_start3A_820 : memref<64xi32, #tpu.memory_space<vmem>>) semaphore(%arg10 : memref<!tpu.dma_semaphore, #tpu.memory_space<semaphore_mem>>)
        %dma_wait3A_824 = arith.constant 0 : i32
        %dma_wait3A_825 = arith.constant 7 : i32
        %dma_wait3A_826 = arith.constant 0 : i32
        %dma_wait3A_827 = arith.constant 0 : i32
        %dma_wait3A_828 = tpu.memref_slice %arg6[%dma_wait3A_825, %dma_wait3A_826, %dma_wait3A_827] : memref<8x64x128xf32, #tpu.memory_space<vmem>> -> memref<1x64x128xf32, #tpu.memory_space<vmem>>
        %dma_wait3A_829 = tpu.memref_squeeze %dma_wait3A_828 : memref<1x64x128xf32, #tpu.memory_space<vmem>> -> memref<64x128xf32, #tpu.memory_space<vmem>>
        %dma_wait3A_830 = arith.constant 0 : i32
        %dma_wait3A_831 = tpu.memref_slice %arg5[%dma_wait3A_824, %dma_wait3A_830] : memref<256x128xi32, #tpu.memory_space<vmem>> -> memref<1x64xi32, #tpu.memory_space<vmem>>
        %dma_wait3A_832 = tpu.memref_squeeze %dma_wait3A_831 : memref<1x64xi32, #tpu.memory_space<vmem>> -> memref<64xi32, #tpu.memory_space<vmem>>
        %dma_wait3A_833 = arith.constant 0 : i32
        %dma_wait3A_834 = arith.constant 0 : i32
        %dma_wait3A_835 = tpu.memref_slice %arg7[%dma_wait3A_833, %dma_wait3A_834] : memref<104x128xf32, #tpu.memory_space<vmem_shared>> -> memref<104x128xf32, #tpu.memory_space<vmem_shared>>
        tpu.wait_indirect_dma semaphore(%arg16 : memref<!tpu.dma_semaphore, #tpu.memory_space<semaphore_mem>>) src(%dma_wait3A_835 : memref<104x128xf32, #tpu.memory_space<vmem_shared>>) dst(%dma_wait3A_829 : memref<64x128xf32, #tpu.memory_space<vmem>>)
        %sub3A_836 = arith.constant 2 : i32
        %sub3A_837 = arith.subi %add3A_209, %sub3A_836 : i32
        %mul3A_838 = arith.constant 64 : i32
        %mul3A_839 = arith.muli %sub3A_837, %mul3A_838 : i32
        %add3A_840 = arith.addi %mul3A_2, %mul3A_839 : i32
        %dma_start3A_841 = arith.constant 7 : i32
        %dma_start3A_842 = arith.constant 0 : i32
        %dma_start3A_843 = arith.constant 0 : i32
        %dma_start3A_844 = tpu.memref_slice %arg6[%dma_start3A_841, %dma_start3A_842, %dma_start3A_843] : memref<8x64x128xf32, #tpu.memory_space<vmem>> -> memref<1x64x128xf32, #tpu.memory_space<vmem>>
        %dma_start3A_845 = tpu.memref_squeeze %dma_start3A_844 : memref<1x64x128xf32, #tpu.memory_space<vmem>> -> memref<64x128xf32, #tpu.memory_space<vmem>>
        %dma_start3A_846 = arith.constant 0 : i32
        %dma_start3A_847 = tpu.memref_slice %arg4[%add3A_840, %dma_start3A_846] : memref<1048576x128xf32, #tpu.memory_space<hbm>> -> memref<64x128xf32, #tpu.memory_space<hbm>>
        %dma_start3A_848 = arith.constant 0 : i32
        %dma_start3A_849 = tpu.memref_slice %arg4[%add3A_840, %dma_start3A_848] : memref<1048576x128xf32, #tpu.memory_space<hbm>> -> memref<64x128xf32, #tpu.memory_space<hbm>>
        %dma_start3A_850 = arith.constant 0 : i32
        %dma_start3A_851 = arith.constant 0 : i32
        %dma_start3A_852 = tpu.memref_slice %arg6[%dma_start3A_841, %dma_start3A_850, %dma_start3A_851] : memref<8x64x128xf32, #tpu.memory_space<vmem>> -> memref<1x64x128xf32, #tpu.memory_space<vmem>>
        %dma_start3A_853 = tpu.memref_squeeze %dma_start3A_852 : memref<1x64x128xf32, #tpu.memory_space<vmem>> -> memref<64x128xf32, #tpu.memory_space<vmem>>
        tpu.enqueue_dma source(%dma_start3A_853 : memref<64x128xf32, #tpu.memory_space<vmem>>) target(%dma_start3A_849 : memref<64x128xf32, #tpu.memory_space<hbm>>) target_semaphore(%arg24 : memref<!tpu.dma_semaphore, #tpu.memory_space<semaphore_mem>>)
      } else {
      }
      %eq3A_215 = arith.constant 0 : i32
      %eq3A_216 = arith.cmpi eq, %scan3A_192, %eq3A_215 : i32
      %convert_element_type3A_217 = arith.extui %eq3A_216 : i1 to i32
      %cond3A_218 = arith.constant 0 : i32
      %cond3A_219 = arith.cmpi ne, %convert_element_type3A_217, %cond3A_218 : i32
      scf.if %cond3A_219 {
        %jit3A_757 = arith.constant 2 : i32
        %div3A_758 = arith.divsi %add3A_209, %jit3A_757 : i32
        %sign3A_759 = arith.constant 0 : i32
        %sign3A_760 = arith.cmpi sgt, %add3A_209, %sign3A_759 : i32
        %sign3A_761 = arith.extui %sign3A_760 : i1 to i32
        %sign3A_762 = arith.constant 0 : i32
        %sign3A_763 = arith.cmpi slt, %add3A_209, %sign3A_762 : i32
        %sign3A_764 = arith.extui %sign3A_763 : i1 to i32
        %sign3A_765 = arith.subi %sign3A_761, %sign3A_764 : i32
        %sign3A_766 = arith.constant 0 : i32
        %sign3A_767 = arith.cmpi sgt, %jit3A_757, %sign3A_766 : i32
        %sign3A_768 = arith.extui %sign3A_767 : i1 to i32
        %sign3A_769 = arith.constant 0 : i32
        %sign3A_770 = arith.cmpi slt, %jit3A_757, %sign3A_769 : i32
        %sign3A_771 = arith.extui %sign3A_770 : i1 to i32
        %sign3A_772 = arith.subi %sign3A_768, %sign3A_771 : i32
        %ne3A_773 = arith.cmpi ne, %sign3A_765, %sign3A_772 : i32
        %rem3A_774 = arith.remsi %add3A_209, %jit3A_757 : i32
        %ne3A_775 = arith.constant 0 : i32
        %ne3A_776 = arith.cmpi ne, %rem3A_774, %ne3A_775 : i32
        %and3A_777 = arith.andi %ne3A_773, %ne3A_776 : i1
        %sub3A_778 = arith.constant 1 : i32
        %sub3A_779 = arith.subi %div3A_758, %sub3A_778 : i32
        %select_n3A_780 = arith.select %and3A_777, %sub3A_779, %div3A_758 : i32
        %jit3A_781 = arith.constant 2 : i32
        %eq3A_782 = arith.constant 0 : i32
        %eq3A_783 = arith.cmpi eq, %jit3A_781, %eq3A_782 : i32
        %jit3A_784 = arith.constant 1 : i32
        %select_n3A_785 = arith.select %eq3A_783, %jit3A_784, %jit3A_781 : i32
        %rem3A_786 = arith.remsi %add3A_209, %select_n3A_785 : i32
        %ne3A_787 = arith.constant 0 : i32
        %ne3A_788 = arith.cmpi ne, %rem3A_786, %ne3A_787 : i32
        %lt3A_789 = arith.constant 0 : i32
        %lt3A_790 = arith.cmpi slt, %rem3A_786, %lt3A_789 : i32
        %lt3A_791 = arith.constant 0 : i32
        %lt3A_792 = arith.cmpi slt, %select_n3A_785, %lt3A_791 : i32
        %ne3A_793 = arith.xori %lt3A_790, %lt3A_792 : i1
        %and3A_794 = arith.andi %ne3A_793, %ne3A_788 : i1
        %add3A_795 = arith.addi %rem3A_786, %select_n3A_785 : i32
        %select_n3A_796 = arith.select %and3A_794, %add3A_795, %rem3A_786 : i32
        %mul3A_797 = arith.constant 64 : i32
        %mul3A_798 = arith.muli %select_n3A_796, %mul3A_797 : i32
        %dma_start3A_799 = arith.constant 1 : i32
        %dma_start3A_800 = arith.constant 0 : i32
        %dma_start3A_801 = arith.constant 0 : i32
        %dma_start3A_802 = tpu.memref_slice %arg6[%dma_start3A_799, %dma_start3A_800, %dma_start3A_801] : memref<8x64x128xf32, #tpu.memory_space<vmem>> -> memref<1x64x128xf32, #tpu.memory_space<vmem>>
        %dma_start3A_803 = tpu.memref_squeeze %dma_start3A_802 : memref<1x64x128xf32, #tpu.memory_space<vmem>> -> memref<64x128xf32, #tpu.memory_space<vmem>>
        %dma_start3A_804 = tpu.memref_slice %arg5[%select_n3A_780, %mul3A_798] : memref<256x128xi32, #tpu.memory_space<vmem>> -> memref<1x64xi32, #tpu.memory_space<vmem>>
        %dma_start3A_805 = tpu.memref_squeeze %dma_start3A_804 : memref<1x64xi32, #tpu.memory_space<vmem>> -> memref<64xi32, #tpu.memory_space<vmem>>
        %dma_start3A_806 = arith.constant 0 : i32
        %dma_start3A_807 = arith.constant 0 : i32
        %dma_start3A_808 = tpu.memref_slice %arg7[%dma_start3A_806, %dma_start3A_807] : memref<104x128xf32, #tpu.memory_space<vmem_shared>> -> memref<104x128xf32, #tpu.memory_space<vmem_shared>>
        tpu.enqueue_indirect_dma source(%dma_start3A_808 : memref<104x128xf32, #tpu.memory_space<vmem_shared>>) target(%dma_start3A_803 : memref<64x128xf32, #tpu.memory_space<vmem>>) offsets(%dma_start3A_805 : memref<64xi32, #tpu.memory_space<vmem>>) semaphore(%arg10 : memref<!tpu.dma_semaphore, #tpu.memory_space<semaphore_mem>>)
      } else {
      }
      %mul3A_220 = arith.constant 8 : i32
      %mul3A_221 = arith.muli %mul3A_220, %scan3A_192 : i32
      %add3A_222 = arith.constant 2 : i32
      %add3A_223 = arith.addi %mul3A_221, %add3A_222 : i32
      %gt3A_224 = arith.constant 0 : i32
      %gt3A_225 = arith.cmpi sgt, %scan3A_192, %gt3A_224 : i32
      %convert_element_type3A_226 = arith.extui %gt3A_225 : i1 to i32
      %cond3A_227 = arith.constant 0 : i32
      %cond3A_228 = arith.cmpi ne, %convert_element_type3A_226, %cond3A_227 : i32
      scf.if %cond3A_228 {
        %dma_wait3A_757 = arith.constant 2 : i32
        %dma_wait3A_758 = arith.constant 0 : i32
        %dma_wait3A_759 = arith.constant 0 : i32
        %dma_wait3A_760 = tpu.memref_slice %arg6[%dma_wait3A_757, %dma_wait3A_758, %dma_wait3A_759] : memref<8x64x128xf32, #tpu.memory_space<vmem>> -> memref<1x64x128xf32, #tpu.memory_space<vmem>>
        %dma_wait3A_761 = tpu.memref_squeeze %dma_wait3A_760 : memref<1x64x128xf32, #tpu.memory_space<vmem>> -> memref<64x128xf32, #tpu.memory_space<vmem>>
        %dma_wait3A_762 = arith.constant 0 : i32
        %dma_wait3A_763 = arith.constant 0 : i32
        %dma_wait3A_764 = tpu.memref_slice %arg4[%dma_wait3A_762, %dma_wait3A_763] : memref<1048576x128xf32, #tpu.memory_space<hbm>> -> memref<64x128xf32, #tpu.memory_space<hbm>>
        %dma_wait3A_765 = arith.constant 0 : i32
        %dma_wait3A_766 = arith.constant 0 : i32
        %dma_wait3A_767 = tpu.memref_slice %arg4[%dma_wait3A_765, %dma_wait3A_766] : memref<1048576x128xf32, #tpu.memory_space<hbm>> -> memref<64x128xf32, #tpu.memory_space<hbm>>
        %dma_wait3A_768 = arith.constant 0 : i32
        %dma_wait3A_769 = arith.constant 0 : i32
        %dma_wait3A_770 = tpu.memref_slice %arg6[%dma_wait3A_757, %dma_wait3A_768, %dma_wait3A_769] : memref<8x64x128xf32, #tpu.memory_space<vmem>> -> memref<1x64x128xf32, #tpu.memory_space<vmem>>
        %dma_wait3A_771 = tpu.memref_squeeze %dma_wait3A_770 : memref<1x64x128xf32, #tpu.memory_space<vmem>> -> memref<64x128xf32, #tpu.memory_space<vmem>>
        tpu.wait_dma2 semaphore(%arg19 : memref<!tpu.dma_semaphore, #tpu.memory_space<semaphore_mem>>) src(%dma_wait3A_771 : memref<64x128xf32, #tpu.memory_space<vmem>>) dst(%dma_wait3A_767 : memref<64x128xf32, #tpu.memory_space<hbm>>)
      } else {
      }
      %jit3A = arith.constant 2 : i32
      %div3A = arith.divsi %add3A_223, %jit3A : i32
      %sign3A = arith.constant 0 : i32
      %sign3A_229 = arith.cmpi sgt, %add3A_223, %sign3A : i32
      %sign3A_230 = arith.extui %sign3A_229 : i1 to i32
      %sign3A_231 = arith.constant 0 : i32
      %sign3A_232 = arith.cmpi slt, %add3A_223, %sign3A_231 : i32
      %sign3A_233 = arith.extui %sign3A_232 : i1 to i32
      %sign3A_234 = arith.subi %sign3A_230, %sign3A_233 : i32
      %sign3A_235 = arith.constant 0 : i32
      %sign3A_236 = arith.cmpi sgt, %jit3A, %sign3A_235 : i32
      %sign3A_237 = arith.extui %sign3A_236 : i1 to i32
      %sign3A_238 = arith.constant 0 : i32
      %sign3A_239 = arith.cmpi slt, %jit3A, %sign3A_238 : i32
      %sign3A_240 = arith.extui %sign3A_239 : i1 to i32
      %sign3A_241 = arith.subi %sign3A_237, %sign3A_240 : i32
      %ne3A = arith.cmpi ne, %sign3A_234, %sign3A_241 : i32
      %rem3A = arith.remsi %add3A_223, %jit3A : i32
      %ne3A_242 = arith.constant 0 : i32
      %ne3A_243 = arith.cmpi ne, %rem3A, %ne3A_242 : i32
      %and3A = arith.andi %ne3A, %ne3A_243 : i1
      %sub3A = arith.constant 1 : i32
      %sub3A_244 = arith.subi %div3A, %sub3A : i32
      %select_n3A = arith.select %and3A, %sub3A_244, %div3A : i32
      %jit3A_245 = arith.constant 2 : i32
      %eq3A_246 = arith.constant 0 : i32
      %eq3A_247 = arith.cmpi eq, %jit3A_245, %eq3A_246 : i32
      %jit3A_248 = arith.constant 1 : i32
      %select_n3A_249 = arith.select %eq3A_247, %jit3A_248, %jit3A_245 : i32
      %rem3A_250 = arith.remsi %add3A_223, %select_n3A_249 : i32
      %ne3A_251 = arith.constant 0 : i32
      %ne3A_252 = arith.cmpi ne, %rem3A_250, %ne3A_251 : i32
      %lt3A = arith.constant 0 : i32
      %lt3A_253 = arith.cmpi slt, %rem3A_250, %lt3A : i32
      %lt3A_254 = arith.constant 0 : i32
      %lt3A_255 = arith.cmpi slt, %select_n3A_249, %lt3A_254 : i32
      %ne3A_256 = arith.xori %lt3A_253, %lt3A_255 : i1
      %and3A_257 = arith.andi %ne3A_256, %ne3A_252 : i1
      %add3A_258 = arith.addi %rem3A_250, %select_n3A_249 : i32
      %select_n3A_259 = arith.select %and3A_257, %add3A_258, %rem3A_250 : i32
      %mul3A_260 = arith.constant 64 : i32
      %mul3A_261 = arith.muli %select_n3A_259, %mul3A_260 : i32
      %dma_start3A_262 = arith.constant 2 : i32
      %dma_start3A_263 = arith.constant 0 : i32
      %dma_start3A_264 = arith.constant 0 : i32
      %dma_start3A_265 = tpu.memref_slice %arg6[%dma_start3A_262, %dma_start3A_263, %dma_start3A_264] : memref<8x64x128xf32, #tpu.memory_space<vmem>> -> memref<1x64x128xf32, #tpu.memory_space<vmem>>
      %dma_start3A_266 = tpu.memref_squeeze %dma_start3A_265 : memref<1x64x128xf32, #tpu.memory_space<vmem>> -> memref<64x128xf32, #tpu.memory_space<vmem>>
      %dma_start3A_267 = tpu.memref_slice %arg5[%select_n3A, %mul3A_261] : memref<256x128xi32, #tpu.memory_space<vmem>> -> memref<1x64xi32, #tpu.memory_space<vmem>>
      %dma_start3A_268 = tpu.memref_squeeze %dma_start3A_267 : memref<1x64xi32, #tpu.memory_space<vmem>> -> memref<64xi32, #tpu.memory_space<vmem>>
      %dma_start3A_269 = arith.constant 0 : i32
      %dma_start3A_270 = arith.constant 0 : i32
      %dma_start3A_271 = tpu.memref_slice %arg7[%dma_start3A_269, %dma_start3A_270] : memref<104x128xf32, #tpu.memory_space<vmem_shared>> -> memref<104x128xf32, #tpu.memory_space<vmem_shared>>
      tpu.enqueue_indirect_dma source(%dma_start3A_271 : memref<104x128xf32, #tpu.memory_space<vmem_shared>>) target(%dma_start3A_266 : memref<64x128xf32, #tpu.memory_space<vmem>>) offsets(%dma_start3A_268 : memref<64xi32, #tpu.memory_space<vmem>>) semaphore(%arg11 : memref<!tpu.dma_semaphore, #tpu.memory_space<semaphore_mem>>)
      %dma_wait3A_272 = arith.constant 0 : i32
      %dma_wait3A_273 = arith.constant 0 : i32
      %dma_wait3A_274 = arith.constant 0 : i32
      %dma_wait3A_275 = arith.constant 0 : i32
      %dma_wait3A_276 = tpu.memref_slice %arg6[%dma_wait3A_273, %dma_wait3A_274, %dma_wait3A_275] : memref<8x64x128xf32, #tpu.memory_space<vmem>> -> memref<1x64x128xf32, #tpu.memory_space<vmem>>
      %dma_wait3A_277 = tpu.memref_squeeze %dma_wait3A_276 : memref<1x64x128xf32, #tpu.memory_space<vmem>> -> memref<64x128xf32, #tpu.memory_space<vmem>>
      %dma_wait3A_278 = arith.constant 0 : i32
      %dma_wait3A_279 = tpu.memref_slice %arg5[%dma_wait3A_272, %dma_wait3A_278] : memref<256x128xi32, #tpu.memory_space<vmem>> -> memref<1x64xi32, #tpu.memory_space<vmem>>
      %dma_wait3A_280 = tpu.memref_squeeze %dma_wait3A_279 : memref<1x64xi32, #tpu.memory_space<vmem>> -> memref<64xi32, #tpu.memory_space<vmem>>
      %dma_wait3A_281 = arith.constant 0 : i32
      %dma_wait3A_282 = arith.constant 0 : i32
      %dma_wait3A_283 = tpu.memref_slice %arg7[%dma_wait3A_281, %dma_wait3A_282] : memref<104x128xf32, #tpu.memory_space<vmem_shared>> -> memref<104x128xf32, #tpu.memory_space<vmem_shared>>
      tpu.wait_indirect_dma semaphore(%arg9 : memref<!tpu.dma_semaphore, #tpu.memory_space<semaphore_mem>>) src(%dma_wait3A_283 : memref<104x128xf32, #tpu.memory_space<vmem_shared>>) dst(%dma_wait3A_277 : memref<64x128xf32, #tpu.memory_space<vmem>>)
      %sub3A_284 = arith.constant 2 : i32
      %sub3A_285 = arith.subi %add3A_223, %sub3A_284 : i32
      %mul3A_286 = arith.constant 64 : i32
      %mul3A_287 = arith.muli %sub3A_285, %mul3A_286 : i32
      %add3A_288 = arith.addi %mul3A_2, %mul3A_287 : i32
      %dma_start3A_289 = arith.constant 0 : i32
      %dma_start3A_290 = arith.constant 0 : i32
      %dma_start3A_291 = arith.constant 0 : i32
      %dma_start3A_292 = tpu.memref_slice %arg6[%dma_start3A_289, %dma_start3A_290, %dma_start3A_291] : memref<8x64x128xf32, #tpu.memory_space<vmem>> -> memref<1x64x128xf32, #tpu.memory_space<vmem>>
      %dma_start3A_293 = tpu.memref_squeeze %dma_start3A_292 : memref<1x64x128xf32, #tpu.memory_space<vmem>> -> memref<64x128xf32, #tpu.memory_space<vmem>>
      %dma_start3A_294 = arith.constant 0 : i32
      %dma_start3A_295 = tpu.memref_slice %arg4[%add3A_288, %dma_start3A_294] : memref<1048576x128xf32, #tpu.memory_space<hbm>> -> memref<64x128xf32, #tpu.memory_space<hbm>>
      %dma_start3A_296 = arith.constant 0 : i32
      %dma_start3A_297 = tpu.memref_slice %arg4[%add3A_288, %dma_start3A_296] : memref<1048576x128xf32, #tpu.memory_space<hbm>> -> memref<64x128xf32, #tpu.memory_space<hbm>>
      %dma_start3A_298 = arith.constant 0 : i32
      %dma_start3A_299 = arith.constant 0 : i32
      %dma_start3A_300 = tpu.memref_slice %arg6[%dma_start3A_289, %dma_start3A_298, %dma_start3A_299] : memref<8x64x128xf32, #tpu.memory_space<vmem>> -> memref<1x64x128xf32, #tpu.memory_space<vmem>>
      %dma_start3A_301 = tpu.memref_squeeze %dma_start3A_300 : memref<1x64x128xf32, #tpu.memory_space<vmem>> -> memref<64x128xf32, #tpu.memory_space<vmem>>
      tpu.enqueue_dma source(%dma_start3A_301 : memref<64x128xf32, #tpu.memory_space<vmem>>) target(%dma_start3A_297 : memref<64x128xf32, #tpu.memory_space<hbm>>) target_semaphore(%arg17 : memref<!tpu.dma_semaphore, #tpu.memory_space<semaphore_mem>>)
      %mul3A_302 = arith.constant 8 : i32
      %mul3A_303 = arith.muli %mul3A_302, %scan3A_192 : i32
      %add3A_304 = arith.constant 3 : i32
      %add3A_305 = arith.addi %mul3A_303, %add3A_304 : i32
      %gt3A_306 = arith.constant 0 : i32
      %gt3A_307 = arith.cmpi sgt, %scan3A_192, %gt3A_306 : i32
      %convert_element_type3A_308 = arith.extui %gt3A_307 : i1 to i32
      %cond3A_309 = arith.constant 0 : i32
      %cond3A_310 = arith.cmpi ne, %convert_element_type3A_308, %cond3A_309 : i32
      scf.if %cond3A_310 {
        %dma_wait3A_757 = arith.constant 3 : i32
        %dma_wait3A_758 = arith.constant 0 : i32
        %dma_wait3A_759 = arith.constant 0 : i32
        %dma_wait3A_760 = tpu.memref_slice %arg6[%dma_wait3A_757, %dma_wait3A_758, %dma_wait3A_759] : memref<8x64x128xf32, #tpu.memory_space<vmem>> -> memref<1x64x128xf32, #tpu.memory_space<vmem>>
        %dma_wait3A_761 = tpu.memref_squeeze %dma_wait3A_760 : memref<1x64x128xf32, #tpu.memory_space<vmem>> -> memref<64x128xf32, #tpu.memory_space<vmem>>
        %dma_wait3A_762 = arith.constant 0 : i32
        %dma_wait3A_763 = arith.constant 0 : i32
        %dma_wait3A_764 = tpu.memref_slice %arg4[%dma_wait3A_762, %dma_wait3A_763] : memref<1048576x128xf32, #tpu.memory_space<hbm>> -> memref<64x128xf32, #tpu.memory_space<hbm>>
        %dma_wait3A_765 = arith.constant 0 : i32
        %dma_wait3A_766 = arith.constant 0 : i32
        %dma_wait3A_767 = tpu.memref_slice %arg4[%dma_wait3A_765, %dma_wait3A_766] : memref<1048576x128xf32, #tpu.memory_space<hbm>> -> memref<64x128xf32, #tpu.memory_space<hbm>>
        %dma_wait3A_768 = arith.constant 0 : i32
        %dma_wait3A_769 = arith.constant 0 : i32
        %dma_wait3A_770 = tpu.memref_slice %arg6[%dma_wait3A_757, %dma_wait3A_768, %dma_wait3A_769] : memref<8x64x128xf32, #tpu.memory_space<vmem>> -> memref<1x64x128xf32, #tpu.memory_space<vmem>>
        %dma_wait3A_771 = tpu.memref_squeeze %dma_wait3A_770 : memref<1x64x128xf32, #tpu.memory_space<vmem>> -> memref<64x128xf32, #tpu.memory_space<vmem>>
        tpu.wait_dma2 semaphore(%arg20 : memref<!tpu.dma_semaphore, #tpu.memory_space<semaphore_mem>>) src(%dma_wait3A_771 : memref<64x128xf32, #tpu.memory_space<vmem>>) dst(%dma_wait3A_767 : memref<64x128xf32, #tpu.memory_space<hbm>>)
      } else {
      }
      %jit3A_311 = arith.constant 2 : i32
      %div3A_312 = arith.divsi %add3A_305, %jit3A_311 : i32
      %sign3A_313 = arith.constant 0 : i32
      %sign3A_314 = arith.cmpi sgt, %add3A_305, %sign3A_313 : i32
      %sign3A_315 = arith.extui %sign3A_314 : i1 to i32
      %sign3A_316 = arith.constant 0 : i32
      %sign3A_317 = arith.cmpi slt, %add3A_305, %sign3A_316 : i32
      %sign3A_318 = arith.extui %sign3A_317 : i1 to i32
      %sign3A_319 = arith.subi %sign3A_315, %sign3A_318 : i32
      %sign3A_320 = arith.constant 0 : i32
      %sign3A_321 = arith.cmpi sgt, %jit3A_311, %sign3A_320 : i32
      %sign3A_322 = arith.extui %sign3A_321 : i1 to i32
      %sign3A_323 = arith.constant 0 : i32
      %sign3A_324 = arith.cmpi slt, %jit3A_311, %sign3A_323 : i32
      %sign3A_325 = arith.extui %sign3A_324 : i1 to i32
      %sign3A_326 = arith.subi %sign3A_322, %sign3A_325 : i32
      %ne3A_327 = arith.cmpi ne, %sign3A_319, %sign3A_326 : i32
      %rem3A_328 = arith.remsi %add3A_305, %jit3A_311 : i32
      %ne3A_329 = arith.constant 0 : i32
      %ne3A_330 = arith.cmpi ne, %rem3A_328, %ne3A_329 : i32
      %and3A_331 = arith.andi %ne3A_327, %ne3A_330 : i1
      %sub3A_332 = arith.constant 1 : i32
      %sub3A_333 = arith.subi %div3A_312, %sub3A_332 : i32
      %select_n3A_334 = arith.select %and3A_331, %sub3A_333, %div3A_312 : i32
      %jit3A_335 = arith.constant 2 : i32
      %eq3A_336 = arith.constant 0 : i32
      %eq3A_337 = arith.cmpi eq, %jit3A_335, %eq3A_336 : i32
      %jit3A_338 = arith.constant 1 : i32
      %select_n3A_339 = arith.select %eq3A_337, %jit3A_338, %jit3A_335 : i32
      %rem3A_340 = arith.remsi %add3A_305, %select_n3A_339 : i32
      %ne3A_341 = arith.constant 0 : i32
      %ne3A_342 = arith.cmpi ne, %rem3A_340, %ne3A_341 : i32
      %lt3A_343 = arith.constant 0 : i32
      %lt3A_344 = arith.cmpi slt, %rem3A_340, %lt3A_343 : i32
      %lt3A_345 = arith.constant 0 : i32
      %lt3A_346 = arith.cmpi slt, %select_n3A_339, %lt3A_345 : i32
      %ne3A_347 = arith.xori %lt3A_344, %lt3A_346 : i1
      %and3A_348 = arith.andi %ne3A_347, %ne3A_342 : i1
      %add3A_349 = arith.addi %rem3A_340, %select_n3A_339 : i32
      %select_n3A_350 = arith.select %and3A_348, %add3A_349, %rem3A_340 : i32
      %mul3A_351 = arith.constant 64 : i32
      %mul3A_352 = arith.muli %select_n3A_350, %mul3A_351 : i32
      %dma_start3A_353 = arith.constant 3 : i32
      %dma_start3A_354 = arith.constant 0 : i32
      %dma_start3A_355 = arith.constant 0 : i32
      %dma_start3A_356 = tpu.memref_slice %arg6[%dma_start3A_353, %dma_start3A_354, %dma_start3A_355] : memref<8x64x128xf32, #tpu.memory_space<vmem>> -> memref<1x64x128xf32, #tpu.memory_space<vmem>>
      %dma_start3A_357 = tpu.memref_squeeze %dma_start3A_356 : memref<1x64x128xf32, #tpu.memory_space<vmem>> -> memref<64x128xf32, #tpu.memory_space<vmem>>
      %dma_start3A_358 = tpu.memref_slice %arg5[%select_n3A_334, %mul3A_352] : memref<256x128xi32, #tpu.memory_space<vmem>> -> memref<1x64xi32, #tpu.memory_space<vmem>>
      %dma_start3A_359 = tpu.memref_squeeze %dma_start3A_358 : memref<1x64xi32, #tpu.memory_space<vmem>> -> memref<64xi32, #tpu.memory_space<vmem>>
      %dma_start3A_360 = arith.constant 0 : i32
      %dma_start3A_361 = arith.constant 0 : i32
      %dma_start3A_362 = tpu.memref_slice %arg7[%dma_start3A_360, %dma_start3A_361] : memref<104x128xf32, #tpu.memory_space<vmem_shared>> -> memref<104x128xf32, #tpu.memory_space<vmem_shared>>
      tpu.enqueue_indirect_dma source(%dma_start3A_362 : memref<104x128xf32, #tpu.memory_space<vmem_shared>>) target(%dma_start3A_357 : memref<64x128xf32, #tpu.memory_space<vmem>>) offsets(%dma_start3A_359 : memref<64xi32, #tpu.memory_space<vmem>>) semaphore(%arg12 : memref<!tpu.dma_semaphore, #tpu.memory_space<semaphore_mem>>)
      %dma_wait3A_363 = arith.constant 0 : i32
      %dma_wait3A_364 = arith.constant 1 : i32
      %dma_wait3A_365 = arith.constant 0 : i32
      %dma_wait3A_366 = arith.constant 0 : i32
      %dma_wait3A_367 = tpu.memref_slice %arg6[%dma_wait3A_364, %dma_wait3A_365, %dma_wait3A_366] : memref<8x64x128xf32, #tpu.memory_space<vmem>> -> memref<1x64x128xf32, #tpu.memory_space<vmem>>
      %dma_wait3A_368 = tpu.memref_squeeze %dma_wait3A_367 : memref<1x64x128xf32, #tpu.memory_space<vmem>> -> memref<64x128xf32, #tpu.memory_space<vmem>>
      %dma_wait3A_369 = arith.constant 0 : i32
      %dma_wait3A_370 = tpu.memref_slice %arg5[%dma_wait3A_363, %dma_wait3A_369] : memref<256x128xi32, #tpu.memory_space<vmem>> -> memref<1x64xi32, #tpu.memory_space<vmem>>
      %dma_wait3A_371 = tpu.memref_squeeze %dma_wait3A_370 : memref<1x64xi32, #tpu.memory_space<vmem>> -> memref<64xi32, #tpu.memory_space<vmem>>
      %dma_wait3A_372 = arith.constant 0 : i32
      %dma_wait3A_373 = arith.constant 0 : i32
      %dma_wait3A_374 = tpu.memref_slice %arg7[%dma_wait3A_372, %dma_wait3A_373] : memref<104x128xf32, #tpu.memory_space<vmem_shared>> -> memref<104x128xf32, #tpu.memory_space<vmem_shared>>
      tpu.wait_indirect_dma semaphore(%arg10 : memref<!tpu.dma_semaphore, #tpu.memory_space<semaphore_mem>>) src(%dma_wait3A_374 : memref<104x128xf32, #tpu.memory_space<vmem_shared>>) dst(%dma_wait3A_368 : memref<64x128xf32, #tpu.memory_space<vmem>>)
      %sub3A_375 = arith.constant 2 : i32
      %sub3A_376 = arith.subi %add3A_305, %sub3A_375 : i32
      %mul3A_377 = arith.constant 64 : i32
      %mul3A_378 = arith.muli %sub3A_376, %mul3A_377 : i32
      %add3A_379 = arith.addi %mul3A_2, %mul3A_378 : i32
      %dma_start3A_380 = arith.constant 1 : i32
      %dma_start3A_381 = arith.constant 0 : i32
      %dma_start3A_382 = arith.constant 0 : i32
      %dma_start3A_383 = tpu.memref_slice %arg6[%dma_start3A_380, %dma_start3A_381, %dma_start3A_382] : memref<8x64x128xf32, #tpu.memory_space<vmem>> -> memref<1x64x128xf32, #tpu.memory_space<vmem>>
      %dma_start3A_384 = tpu.memref_squeeze %dma_start3A_383 : memref<1x64x128xf32, #tpu.memory_space<vmem>> -> memref<64x128xf32, #tpu.memory_space<vmem>>
      %dma_start3A_385 = arith.constant 0 : i32
      %dma_start3A_386 = tpu.memref_slice %arg4[%add3A_379, %dma_start3A_385] : memref<1048576x128xf32, #tpu.memory_space<hbm>> -> memref<64x128xf32, #tpu.memory_space<hbm>>
      %dma_start3A_387 = arith.constant 0 : i32
      %dma_start3A_388 = tpu.memref_slice %arg4[%add3A_379, %dma_start3A_387] : memref<1048576x128xf32, #tpu.memory_space<hbm>> -> memref<64x128xf32, #tpu.memory_space<hbm>>
      %dma_start3A_389 = arith.constant 0 : i32
      %dma_start3A_390 = arith.constant 0 : i32
      %dma_start3A_391 = tpu.memref_slice %arg6[%dma_start3A_380, %dma_start3A_389, %dma_start3A_390] : memref<8x64x128xf32, #tpu.memory_space<vmem>> -> memref<1x64x128xf32, #tpu.memory_space<vmem>>
      %dma_start3A_392 = tpu.memref_squeeze %dma_start3A_391 : memref<1x64x128xf32, #tpu.memory_space<vmem>> -> memref<64x128xf32, #tpu.memory_space<vmem>>
      tpu.enqueue_dma source(%dma_start3A_392 : memref<64x128xf32, #tpu.memory_space<vmem>>) target(%dma_start3A_388 : memref<64x128xf32, #tpu.memory_space<hbm>>) target_semaphore(%arg18 : memref<!tpu.dma_semaphore, #tpu.memory_space<semaphore_mem>>)
      %mul3A_393 = arith.constant 8 : i32
      %mul3A_394 = arith.muli %mul3A_393, %scan3A_192 : i32
      %add3A_395 = arith.constant 4 : i32
      %add3A_396 = arith.addi %mul3A_394, %add3A_395 : i32
      %gt3A_397 = arith.constant 0 : i32
      %gt3A_398 = arith.cmpi sgt, %scan3A_192, %gt3A_397 : i32
      %convert_element_type3A_399 = arith.extui %gt3A_398 : i1 to i32
      %cond3A_400 = arith.constant 0 : i32
      %cond3A_401 = arith.cmpi ne, %convert_element_type3A_399, %cond3A_400 : i32
      scf.if %cond3A_401 {
        %dma_wait3A_757 = arith.constant 4 : i32
        %dma_wait3A_758 = arith.constant 0 : i32
        %dma_wait3A_759 = arith.constant 0 : i32
        %dma_wait3A_760 = tpu.memref_slice %arg6[%dma_wait3A_757, %dma_wait3A_758, %dma_wait3A_759] : memref<8x64x128xf32, #tpu.memory_space<vmem>> -> memref<1x64x128xf32, #tpu.memory_space<vmem>>
        %dma_wait3A_761 = tpu.memref_squeeze %dma_wait3A_760 : memref<1x64x128xf32, #tpu.memory_space<vmem>> -> memref<64x128xf32, #tpu.memory_space<vmem>>
        %dma_wait3A_762 = arith.constant 0 : i32
        %dma_wait3A_763 = arith.constant 0 : i32
        %dma_wait3A_764 = tpu.memref_slice %arg4[%dma_wait3A_762, %dma_wait3A_763] : memref<1048576x128xf32, #tpu.memory_space<hbm>> -> memref<64x128xf32, #tpu.memory_space<hbm>>
        %dma_wait3A_765 = arith.constant 0 : i32
        %dma_wait3A_766 = arith.constant 0 : i32
        %dma_wait3A_767 = tpu.memref_slice %arg4[%dma_wait3A_765, %dma_wait3A_766] : memref<1048576x128xf32, #tpu.memory_space<hbm>> -> memref<64x128xf32, #tpu.memory_space<hbm>>
        %dma_wait3A_768 = arith.constant 0 : i32
        %dma_wait3A_769 = arith.constant 0 : i32
        %dma_wait3A_770 = tpu.memref_slice %arg6[%dma_wait3A_757, %dma_wait3A_768, %dma_wait3A_769] : memref<8x64x128xf32, #tpu.memory_space<vmem>> -> memref<1x64x128xf32, #tpu.memory_space<vmem>>
        %dma_wait3A_771 = tpu.memref_squeeze %dma_wait3A_770 : memref<1x64x128xf32, #tpu.memory_space<vmem>> -> memref<64x128xf32, #tpu.memory_space<vmem>>
        tpu.wait_dma2 semaphore(%arg21 : memref<!tpu.dma_semaphore, #tpu.memory_space<semaphore_mem>>) src(%dma_wait3A_771 : memref<64x128xf32, #tpu.memory_space<vmem>>) dst(%dma_wait3A_767 : memref<64x128xf32, #tpu.memory_space<hbm>>)
      } else {
      }
      %jit3A_402 = arith.constant 2 : i32
      %div3A_403 = arith.divsi %add3A_396, %jit3A_402 : i32
      %sign3A_404 = arith.constant 0 : i32
      %sign3A_405 = arith.cmpi sgt, %add3A_396, %sign3A_404 : i32
      %sign3A_406 = arith.extui %sign3A_405 : i1 to i32
      %sign3A_407 = arith.constant 0 : i32
      %sign3A_408 = arith.cmpi slt, %add3A_396, %sign3A_407 : i32
      %sign3A_409 = arith.extui %sign3A_408 : i1 to i32
      %sign3A_410 = arith.subi %sign3A_406, %sign3A_409 : i32
      %sign3A_411 = arith.constant 0 : i32
      %sign3A_412 = arith.cmpi sgt, %jit3A_402, %sign3A_411 : i32
      %sign3A_413 = arith.extui %sign3A_412 : i1 to i32
      %sign3A_414 = arith.constant 0 : i32
      %sign3A_415 = arith.cmpi slt, %jit3A_402, %sign3A_414 : i32
      %sign3A_416 = arith.extui %sign3A_415 : i1 to i32
      %sign3A_417 = arith.subi %sign3A_413, %sign3A_416 : i32
      %ne3A_418 = arith.cmpi ne, %sign3A_410, %sign3A_417 : i32
      %rem3A_419 = arith.remsi %add3A_396, %jit3A_402 : i32
      %ne3A_420 = arith.constant 0 : i32
      %ne3A_421 = arith.cmpi ne, %rem3A_419, %ne3A_420 : i32
      %and3A_422 = arith.andi %ne3A_418, %ne3A_421 : i1
      %sub3A_423 = arith.constant 1 : i32
      %sub3A_424 = arith.subi %div3A_403, %sub3A_423 : i32
      %select_n3A_425 = arith.select %and3A_422, %sub3A_424, %div3A_403 : i32
      %jit3A_426 = arith.constant 2 : i32
      %eq3A_427 = arith.constant 0 : i32
      %eq3A_428 = arith.cmpi eq, %jit3A_426, %eq3A_427 : i32
      %jit3A_429 = arith.constant 1 : i32
      %select_n3A_430 = arith.select %eq3A_428, %jit3A_429, %jit3A_426 : i32
      %rem3A_431 = arith.remsi %add3A_396, %select_n3A_430 : i32
      %ne3A_432 = arith.constant 0 : i32
      %ne3A_433 = arith.cmpi ne, %rem3A_431, %ne3A_432 : i32
      %lt3A_434 = arith.constant 0 : i32
      %lt3A_435 = arith.cmpi slt, %rem3A_431, %lt3A_434 : i32
      %lt3A_436 = arith.constant 0 : i32
      %lt3A_437 = arith.cmpi slt, %select_n3A_430, %lt3A_436 : i32
      %ne3A_438 = arith.xori %lt3A_435, %lt3A_437 : i1
      %and3A_439 = arith.andi %ne3A_438, %ne3A_433 : i1
      %add3A_440 = arith.addi %rem3A_431, %select_n3A_430 : i32
      %select_n3A_441 = arith.select %and3A_439, %add3A_440, %rem3A_431 : i32
      %mul3A_442 = arith.constant 64 : i32
      %mul3A_443 = arith.muli %select_n3A_441, %mul3A_442 : i32
      %dma_start3A_444 = arith.constant 4 : i32
      %dma_start3A_445 = arith.constant 0 : i32
      %dma_start3A_446 = arith.constant 0 : i32
      %dma_start3A_447 = tpu.memref_slice %arg6[%dma_start3A_444, %dma_start3A_445, %dma_start3A_446] : memref<8x64x128xf32, #tpu.memory_space<vmem>> -> memref<1x64x128xf32, #tpu.memory_space<vmem>>
      %dma_start3A_448 = tpu.memref_squeeze %dma_start3A_447 : memref<1x64x128xf32, #tpu.memory_space<vmem>> -> memref<64x128xf32, #tpu.memory_space<vmem>>
      %dma_start3A_449 = tpu.memref_slice %arg5[%select_n3A_425, %mul3A_443] : memref<256x128xi32, #tpu.memory_space<vmem>> -> memref<1x64xi32, #tpu.memory_space<vmem>>
      %dma_start3A_450 = tpu.memref_squeeze %dma_start3A_449 : memref<1x64xi32, #tpu.memory_space<vmem>> -> memref<64xi32, #tpu.memory_space<vmem>>
      %dma_start3A_451 = arith.constant 0 : i32
      %dma_start3A_452 = arith.constant 0 : i32
      %dma_start3A_453 = tpu.memref_slice %arg7[%dma_start3A_451, %dma_start3A_452] : memref<104x128xf32, #tpu.memory_space<vmem_shared>> -> memref<104x128xf32, #tpu.memory_space<vmem_shared>>
      tpu.enqueue_indirect_dma source(%dma_start3A_453 : memref<104x128xf32, #tpu.memory_space<vmem_shared>>) target(%dma_start3A_448 : memref<64x128xf32, #tpu.memory_space<vmem>>) offsets(%dma_start3A_450 : memref<64xi32, #tpu.memory_space<vmem>>) semaphore(%arg13 : memref<!tpu.dma_semaphore, #tpu.memory_space<semaphore_mem>>)
      %dma_wait3A_454 = arith.constant 0 : i32
      %dma_wait3A_455 = arith.constant 2 : i32
      %dma_wait3A_456 = arith.constant 0 : i32
      %dma_wait3A_457 = arith.constant 0 : i32
      %dma_wait3A_458 = tpu.memref_slice %arg6[%dma_wait3A_455, %dma_wait3A_456, %dma_wait3A_457] : memref<8x64x128xf32, #tpu.memory_space<vmem>> -> memref<1x64x128xf32, #tpu.memory_space<vmem>>
      %dma_wait3A_459 = tpu.memref_squeeze %dma_wait3A_458 : memref<1x64x128xf32, #tpu.memory_space<vmem>> -> memref<64x128xf32, #tpu.memory_space<vmem>>
      %dma_wait3A_460 = arith.constant 0 : i32
      %dma_wait3A_461 = tpu.memref_slice %arg5[%dma_wait3A_454, %dma_wait3A_460] : memref<256x128xi32, #tpu.memory_space<vmem>> -> memref<1x64xi32, #tpu.memory_space<vmem>>
      %dma_wait3A_462 = tpu.memref_squeeze %dma_wait3A_461 : memref<1x64xi32, #tpu.memory_space<vmem>> -> memref<64xi32, #tpu.memory_space<vmem>>
      %dma_wait3A_463 = arith.constant 0 : i32
      %dma_wait3A_464 = arith.constant 0 : i32
      %dma_wait3A_465 = tpu.memref_slice %arg7[%dma_wait3A_463, %dma_wait3A_464] : memref<104x128xf32, #tpu.memory_space<vmem_shared>> -> memref<104x128xf32, #tpu.memory_space<vmem_shared>>
      tpu.wait_indirect_dma semaphore(%arg11 : memref<!tpu.dma_semaphore, #tpu.memory_space<semaphore_mem>>) src(%dma_wait3A_465 : memref<104x128xf32, #tpu.memory_space<vmem_shared>>) dst(%dma_wait3A_459 : memref<64x128xf32, #tpu.memory_space<vmem>>)
      %sub3A_466 = arith.constant 2 : i32
      %sub3A_467 = arith.subi %add3A_396, %sub3A_466 : i32
      %mul3A_468 = arith.constant 64 : i32
      %mul3A_469 = arith.muli %sub3A_467, %mul3A_468 : i32
      %add3A_470 = arith.addi %mul3A_2, %mul3A_469 : i32
      %dma_start3A_471 = arith.constant 2 : i32
      %dma_start3A_472 = arith.constant 0 : i32
      %dma_start3A_473 = arith.constant 0 : i32
      %dma_start3A_474 = tpu.memref_slice %arg6[%dma_start3A_471, %dma_start3A_472, %dma_start3A_473] : memref<8x64x128xf32, #tpu.memory_space<vmem>> -> memref<1x64x128xf32, #tpu.memory_space<vmem>>
      %dma_start3A_475 = tpu.memref_squeeze %dma_start3A_474 : memref<1x64x128xf32, #tpu.memory_space<vmem>> -> memref<64x128xf32, #tpu.memory_space<vmem>>
      %dma_start3A_476 = arith.constant 0 : i32
      %dma_start3A_477 = tpu.memref_slice %arg4[%add3A_470, %dma_start3A_476] : memref<1048576x128xf32, #tpu.memory_space<hbm>> -> memref<64x128xf32, #tpu.memory_space<hbm>>
      %dma_start3A_478 = arith.constant 0 : i32
      %dma_start3A_479 = tpu.memref_slice %arg4[%add3A_470, %dma_start3A_478] : memref<1048576x128xf32, #tpu.memory_space<hbm>> -> memref<64x128xf32, #tpu.memory_space<hbm>>
      %dma_start3A_480 = arith.constant 0 : i32
      %dma_start3A_481 = arith.constant 0 : i32
      %dma_start3A_482 = tpu.memref_slice %arg6[%dma_start3A_471, %dma_start3A_480, %dma_start3A_481] : memref<8x64x128xf32, #tpu.memory_space<vmem>> -> memref<1x64x128xf32, #tpu.memory_space<vmem>>
      %dma_start3A_483 = tpu.memref_squeeze %dma_start3A_482 : memref<1x64x128xf32, #tpu.memory_space<vmem>> -> memref<64x128xf32, #tpu.memory_space<vmem>>
      tpu.enqueue_dma source(%dma_start3A_483 : memref<64x128xf32, #tpu.memory_space<vmem>>) target(%dma_start3A_479 : memref<64x128xf32, #tpu.memory_space<hbm>>) target_semaphore(%arg19 : memref<!tpu.dma_semaphore, #tpu.memory_space<semaphore_mem>>)
      %mul3A_484 = arith.constant 8 : i32
      %mul3A_485 = arith.muli %mul3A_484, %scan3A_192 : i32
      %add3A_486 = arith.constant 5 : i32
      %add3A_487 = arith.addi %mul3A_485, %add3A_486 : i32
      %gt3A_488 = arith.constant 0 : i32
      %gt3A_489 = arith.cmpi sgt, %scan3A_192, %gt3A_488 : i32
      %convert_element_type3A_490 = arith.extui %gt3A_489 : i1 to i32
      %cond3A_491 = arith.constant 0 : i32
      %cond3A_492 = arith.cmpi ne, %convert_element_type3A_490, %cond3A_491 : i32
      scf.if %cond3A_492 {
        %dma_wait3A_757 = arith.constant 5 : i32
        %dma_wait3A_758 = arith.constant 0 : i32
        %dma_wait3A_759 = arith.constant 0 : i32
        %dma_wait3A_760 = tpu.memref_slice %arg6[%dma_wait3A_757, %dma_wait3A_758, %dma_wait3A_759] : memref<8x64x128xf32, #tpu.memory_space<vmem>> -> memref<1x64x128xf32, #tpu.memory_space<vmem>>
        %dma_wait3A_761 = tpu.memref_squeeze %dma_wait3A_760 : memref<1x64x128xf32, #tpu.memory_space<vmem>> -> memref<64x128xf32, #tpu.memory_space<vmem>>
        %dma_wait3A_762 = arith.constant 0 : i32
        %dma_wait3A_763 = arith.constant 0 : i32
        %dma_wait3A_764 = tpu.memref_slice %arg4[%dma_wait3A_762, %dma_wait3A_763] : memref<1048576x128xf32, #tpu.memory_space<hbm>> -> memref<64x128xf32, #tpu.memory_space<hbm>>
        %dma_wait3A_765 = arith.constant 0 : i32
        %dma_wait3A_766 = arith.constant 0 : i32
        %dma_wait3A_767 = tpu.memref_slice %arg4[%dma_wait3A_765, %dma_wait3A_766] : memref<1048576x128xf32, #tpu.memory_space<hbm>> -> memref<64x128xf32, #tpu.memory_space<hbm>>
        %dma_wait3A_768 = arith.constant 0 : i32
        %dma_wait3A_769 = arith.constant 0 : i32
        %dma_wait3A_770 = tpu.memref_slice %arg6[%dma_wait3A_757, %dma_wait3A_768, %dma_wait3A_769] : memref<8x64x128xf32, #tpu.memory_space<vmem>> -> memref<1x64x128xf32, #tpu.memory_space<vmem>>
        %dma_wait3A_771 = tpu.memref_squeeze %dma_wait3A_770 : memref<1x64x128xf32, #tpu.memory_space<vmem>> -> memref<64x128xf32, #tpu.memory_space<vmem>>
        tpu.wait_dma2 semaphore(%arg22 : memref<!tpu.dma_semaphore, #tpu.memory_space<semaphore_mem>>) src(%dma_wait3A_771 : memref<64x128xf32, #tpu.memory_space<vmem>>) dst(%dma_wait3A_767 : memref<64x128xf32, #tpu.memory_space<hbm>>)
      } else {
      }
      %jit3A_493 = arith.constant 2 : i32
      %div3A_494 = arith.divsi %add3A_487, %jit3A_493 : i32
      %sign3A_495 = arith.constant 0 : i32
      %sign3A_496 = arith.cmpi sgt, %add3A_487, %sign3A_495 : i32
      %sign3A_497 = arith.extui %sign3A_496 : i1 to i32
      %sign3A_498 = arith.constant 0 : i32
      %sign3A_499 = arith.cmpi slt, %add3A_487, %sign3A_498 : i32
      %sign3A_500 = arith.extui %sign3A_499 : i1 to i32
      %sign3A_501 = arith.subi %sign3A_497, %sign3A_500 : i32
      %sign3A_502 = arith.constant 0 : i32
      %sign3A_503 = arith.cmpi sgt, %jit3A_493, %sign3A_502 : i32
      %sign3A_504 = arith.extui %sign3A_503 : i1 to i32
      %sign3A_505 = arith.constant 0 : i32
      %sign3A_506 = arith.cmpi slt, %jit3A_493, %sign3A_505 : i32
      %sign3A_507 = arith.extui %sign3A_506 : i1 to i32
      %sign3A_508 = arith.subi %sign3A_504, %sign3A_507 : i32
      %ne3A_509 = arith.cmpi ne, %sign3A_501, %sign3A_508 : i32
      %rem3A_510 = arith.remsi %add3A_487, %jit3A_493 : i32
      %ne3A_511 = arith.constant 0 : i32
      %ne3A_512 = arith.cmpi ne, %rem3A_510, %ne3A_511 : i32
      %and3A_513 = arith.andi %ne3A_509, %ne3A_512 : i1
      %sub3A_514 = arith.constant 1 : i32
      %sub3A_515 = arith.subi %div3A_494, %sub3A_514 : i32
      %select_n3A_516 = arith.select %and3A_513, %sub3A_515, %div3A_494 : i32
      %jit3A_517 = arith.constant 2 : i32
      %eq3A_518 = arith.constant 0 : i32
      %eq3A_519 = arith.cmpi eq, %jit3A_517, %eq3A_518 : i32
      %jit3A_520 = arith.constant 1 : i32
      %select_n3A_521 = arith.select %eq3A_519, %jit3A_520, %jit3A_517 : i32
      %rem3A_522 = arith.remsi %add3A_487, %select_n3A_521 : i32
      %ne3A_523 = arith.constant 0 : i32
      %ne3A_524 = arith.cmpi ne, %rem3A_522, %ne3A_523 : i32
      %lt3A_525 = arith.constant 0 : i32
      %lt3A_526 = arith.cmpi slt, %rem3A_522, %lt3A_525 : i32
      %lt3A_527 = arith.constant 0 : i32
      %lt3A_528 = arith.cmpi slt, %select_n3A_521, %lt3A_527 : i32
      %ne3A_529 = arith.xori %lt3A_526, %lt3A_528 : i1
      %and3A_530 = arith.andi %ne3A_529, %ne3A_524 : i1
      %add3A_531 = arith.addi %rem3A_522, %select_n3A_521 : i32
      %select_n3A_532 = arith.select %and3A_530, %add3A_531, %rem3A_522 : i32
      %mul3A_533 = arith.constant 64 : i32
      %mul3A_534 = arith.muli %select_n3A_532, %mul3A_533 : i32
      %dma_start3A_535 = arith.constant 5 : i32
      %dma_start3A_536 = arith.constant 0 : i32
      %dma_start3A_537 = arith.constant 0 : i32
      %dma_start3A_538 = tpu.memref_slice %arg6[%dma_start3A_535, %dma_start3A_536, %dma_start3A_537] : memref<8x64x128xf32, #tpu.memory_space<vmem>> -> memref<1x64x128xf32, #tpu.memory_space<vmem>>
      %dma_start3A_539 = tpu.memref_squeeze %dma_start3A_538 : memref<1x64x128xf32, #tpu.memory_space<vmem>> -> memref<64x128xf32, #tpu.memory_space<vmem>>
      %dma_start3A_540 = tpu.memref_slice %arg5[%select_n3A_516, %mul3A_534] : memref<256x128xi32, #tpu.memory_space<vmem>> -> memref<1x64xi32, #tpu.memory_space<vmem>>
      %dma_start3A_541 = tpu.memref_squeeze %dma_start3A_540 : memref<1x64xi32, #tpu.memory_space<vmem>> -> memref<64xi32, #tpu.memory_space<vmem>>
      %dma_start3A_542 = arith.constant 0 : i32
      %dma_start3A_543 = arith.constant 0 : i32
      %dma_start3A_544 = tpu.memref_slice %arg7[%dma_start3A_542, %dma_start3A_543] : memref<104x128xf32, #tpu.memory_space<vmem_shared>> -> memref<104x128xf32, #tpu.memory_space<vmem_shared>>
      tpu.enqueue_indirect_dma source(%dma_start3A_544 : memref<104x128xf32, #tpu.memory_space<vmem_shared>>) target(%dma_start3A_539 : memref<64x128xf32, #tpu.memory_space<vmem>>) offsets(%dma_start3A_541 : memref<64xi32, #tpu.memory_space<vmem>>) semaphore(%arg14 : memref<!tpu.dma_semaphore, #tpu.memory_space<semaphore_mem>>)
      %dma_wait3A_545 = arith.constant 0 : i32
      %dma_wait3A_546 = arith.constant 3 : i32
      %dma_wait3A_547 = arith.constant 0 : i32
      %dma_wait3A_548 = arith.constant 0 : i32
      %dma_wait3A_549 = tpu.memref_slice %arg6[%dma_wait3A_546, %dma_wait3A_547, %dma_wait3A_548] : memref<8x64x128xf32, #tpu.memory_space<vmem>> -> memref<1x64x128xf32, #tpu.memory_space<vmem>>
      %dma_wait3A_550 = tpu.memref_squeeze %dma_wait3A_549 : memref<1x64x128xf32, #tpu.memory_space<vmem>> -> memref<64x128xf32, #tpu.memory_space<vmem>>
      %dma_wait3A_551 = arith.constant 0 : i32
      %dma_wait3A_552 = tpu.memref_slice %arg5[%dma_wait3A_545, %dma_wait3A_551] : memref<256x128xi32, #tpu.memory_space<vmem>> -> memref<1x64xi32, #tpu.memory_space<vmem>>
      %dma_wait3A_553 = tpu.memref_squeeze %dma_wait3A_552 : memref<1x64xi32, #tpu.memory_space<vmem>> -> memref<64xi32, #tpu.memory_space<vmem>>
      %dma_wait3A_554 = arith.constant 0 : i32
      %dma_wait3A_555 = arith.constant 0 : i32
      %dma_wait3A_556 = tpu.memref_slice %arg7[%dma_wait3A_554, %dma_wait3A_555] : memref<104x128xf32, #tpu.memory_space<vmem_shared>> -> memref<104x128xf32, #tpu.memory_space<vmem_shared>>
      tpu.wait_indirect_dma semaphore(%arg12 : memref<!tpu.dma_semaphore, #tpu.memory_space<semaphore_mem>>) src(%dma_wait3A_556 : memref<104x128xf32, #tpu.memory_space<vmem_shared>>) dst(%dma_wait3A_550 : memref<64x128xf32, #tpu.memory_space<vmem>>)
      %sub3A_557 = arith.constant 2 : i32
      %sub3A_558 = arith.subi %add3A_487, %sub3A_557 : i32
      %mul3A_559 = arith.constant 64 : i32
      %mul3A_560 = arith.muli %sub3A_558, %mul3A_559 : i32
      %add3A_561 = arith.addi %mul3A_2, %mul3A_560 : i32
      %dma_start3A_562 = arith.constant 3 : i32
      %dma_start3A_563 = arith.constant 0 : i32
      %dma_start3A_564 = arith.constant 0 : i32
      %dma_start3A_565 = tpu.memref_slice %arg6[%dma_start3A_562, %dma_start3A_563, %dma_start3A_564] : memref<8x64x128xf32, #tpu.memory_space<vmem>> -> memref<1x64x128xf32, #tpu.memory_space<vmem>>
      %dma_start3A_566 = tpu.memref_squeeze %dma_start3A_565 : memref<1x64x128xf32, #tpu.memory_space<vmem>> -> memref<64x128xf32, #tpu.memory_space<vmem>>
      %dma_start3A_567 = arith.constant 0 : i32
      %dma_start3A_568 = tpu.memref_slice %arg4[%add3A_561, %dma_start3A_567] : memref<1048576x128xf32, #tpu.memory_space<hbm>> -> memref<64x128xf32, #tpu.memory_space<hbm>>
      %dma_start3A_569 = arith.constant 0 : i32
      %dma_start3A_570 = tpu.memref_slice %arg4[%add3A_561, %dma_start3A_569] : memref<1048576x128xf32, #tpu.memory_space<hbm>> -> memref<64x128xf32, #tpu.memory_space<hbm>>
      %dma_start3A_571 = arith.constant 0 : i32
      %dma_start3A_572 = arith.constant 0 : i32
      %dma_start3A_573 = tpu.memref_slice %arg6[%dma_start3A_562, %dma_start3A_571, %dma_start3A_572] : memref<8x64x128xf32, #tpu.memory_space<vmem>> -> memref<1x64x128xf32, #tpu.memory_space<vmem>>
      %dma_start3A_574 = tpu.memref_squeeze %dma_start3A_573 : memref<1x64x128xf32, #tpu.memory_space<vmem>> -> memref<64x128xf32, #tpu.memory_space<vmem>>
      tpu.enqueue_dma source(%dma_start3A_574 : memref<64x128xf32, #tpu.memory_space<vmem>>) target(%dma_start3A_570 : memref<64x128xf32, #tpu.memory_space<hbm>>) target_semaphore(%arg20 : memref<!tpu.dma_semaphore, #tpu.memory_space<semaphore_mem>>)
      %mul3A_575 = arith.constant 8 : i32
      %mul3A_576 = arith.muli %mul3A_575, %scan3A_192 : i32
      %add3A_577 = arith.constant 6 : i32
      %add3A_578 = arith.addi %mul3A_576, %add3A_577 : i32
      %gt3A_579 = arith.constant 0 : i32
      %gt3A_580 = arith.cmpi sgt, %scan3A_192, %gt3A_579 : i32
      %convert_element_type3A_581 = arith.extui %gt3A_580 : i1 to i32
      %cond3A_582 = arith.constant 0 : i32
      %cond3A_583 = arith.cmpi ne, %convert_element_type3A_581, %cond3A_582 : i32
      scf.if %cond3A_583 {
        %dma_wait3A_757 = arith.constant 6 : i32
        %dma_wait3A_758 = arith.constant 0 : i32
        %dma_wait3A_759 = arith.constant 0 : i32
        %dma_wait3A_760 = tpu.memref_slice %arg6[%dma_wait3A_757, %dma_wait3A_758, %dma_wait3A_759] : memref<8x64x128xf32, #tpu.memory_space<vmem>> -> memref<1x64x128xf32, #tpu.memory_space<vmem>>
        %dma_wait3A_761 = tpu.memref_squeeze %dma_wait3A_760 : memref<1x64x128xf32, #tpu.memory_space<vmem>> -> memref<64x128xf32, #tpu.memory_space<vmem>>
        %dma_wait3A_762 = arith.constant 0 : i32
        %dma_wait3A_763 = arith.constant 0 : i32
        %dma_wait3A_764 = tpu.memref_slice %arg4[%dma_wait3A_762, %dma_wait3A_763] : memref<1048576x128xf32, #tpu.memory_space<hbm>> -> memref<64x128xf32, #tpu.memory_space<hbm>>
        %dma_wait3A_765 = arith.constant 0 : i32
        %dma_wait3A_766 = arith.constant 0 : i32
        %dma_wait3A_767 = tpu.memref_slice %arg4[%dma_wait3A_765, %dma_wait3A_766] : memref<1048576x128xf32, #tpu.memory_space<hbm>> -> memref<64x128xf32, #tpu.memory_space<hbm>>
        %dma_wait3A_768 = arith.constant 0 : i32
        %dma_wait3A_769 = arith.constant 0 : i32
        %dma_wait3A_770 = tpu.memref_slice %arg6[%dma_wait3A_757, %dma_wait3A_768, %dma_wait3A_769] : memref<8x64x128xf32, #tpu.memory_space<vmem>> -> memref<1x64x128xf32, #tpu.memory_space<vmem>>
        %dma_wait3A_771 = tpu.memref_squeeze %dma_wait3A_770 : memref<1x64x128xf32, #tpu.memory_space<vmem>> -> memref<64x128xf32, #tpu.memory_space<vmem>>
        tpu.wait_dma2 semaphore(%arg23 : memref<!tpu.dma_semaphore, #tpu.memory_space<semaphore_mem>>) src(%dma_wait3A_771 : memref<64x128xf32, #tpu.memory_space<vmem>>) dst(%dma_wait3A_767 : memref<64x128xf32, #tpu.memory_space<hbm>>)
      } else {
      }
      %jit3A_584 = arith.constant 2 : i32
      %div3A_585 = arith.divsi %add3A_578, %jit3A_584 : i32
      %sign3A_586 = arith.constant 0 : i32
      %sign3A_587 = arith.cmpi sgt, %add3A_578, %sign3A_586 : i32
      %sign3A_588 = arith.extui %sign3A_587 : i1 to i32
      %sign3A_589 = arith.constant 0 : i32
      %sign3A_590 = arith.cmpi slt, %add3A_578, %sign3A_589 : i32
      %sign3A_591 = arith.extui %sign3A_590 : i1 to i32
      %sign3A_592 = arith.subi %sign3A_588, %sign3A_591 : i32
      %sign3A_593 = arith.constant 0 : i32
      %sign3A_594 = arith.cmpi sgt, %jit3A_584, %sign3A_593 : i32
      %sign3A_595 = arith.extui %sign3A_594 : i1 to i32
      %sign3A_596 = arith.constant 0 : i32
      %sign3A_597 = arith.cmpi slt, %jit3A_584, %sign3A_596 : i32
      %sign3A_598 = arith.extui %sign3A_597 : i1 to i32
      %sign3A_599 = arith.subi %sign3A_595, %sign3A_598 : i32
      %ne3A_600 = arith.cmpi ne, %sign3A_592, %sign3A_599 : i32
      %rem3A_601 = arith.remsi %add3A_578, %jit3A_584 : i32
      %ne3A_602 = arith.constant 0 : i32
      %ne3A_603 = arith.cmpi ne, %rem3A_601, %ne3A_602 : i32
      %and3A_604 = arith.andi %ne3A_600, %ne3A_603 : i1
      %sub3A_605 = arith.constant 1 : i32
      %sub3A_606 = arith.subi %div3A_585, %sub3A_605 : i32
      %select_n3A_607 = arith.select %and3A_604, %sub3A_606, %div3A_585 : i32
      %jit3A_608 = arith.constant 2 : i32
      %eq3A_609 = arith.constant 0 : i32
      %eq3A_610 = arith.cmpi eq, %jit3A_608, %eq3A_609 : i32
      %jit3A_611 = arith.constant 1 : i32
      %select_n3A_612 = arith.select %eq3A_610, %jit3A_611, %jit3A_608 : i32
      %rem3A_613 = arith.remsi %add3A_578, %select_n3A_612 : i32
      %ne3A_614 = arith.constant 0 : i32
      %ne3A_615 = arith.cmpi ne, %rem3A_613, %ne3A_614 : i32
      %lt3A_616 = arith.constant 0 : i32
      %lt3A_617 = arith.cmpi slt, %rem3A_613, %lt3A_616 : i32
      %lt3A_618 = arith.constant 0 : i32
      %lt3A_619 = arith.cmpi slt, %select_n3A_612, %lt3A_618 : i32
      %ne3A_620 = arith.xori %lt3A_617, %lt3A_619 : i1
      %and3A_621 = arith.andi %ne3A_620, %ne3A_615 : i1
      %add3A_622 = arith.addi %rem3A_613, %select_n3A_612 : i32
      %select_n3A_623 = arith.select %and3A_621, %add3A_622, %rem3A_613 : i32
      %mul3A_624 = arith.constant 64 : i32
      %mul3A_625 = arith.muli %select_n3A_623, %mul3A_624 : i32
      %dma_start3A_626 = arith.constant 6 : i32
      %dma_start3A_627 = arith.constant 0 : i32
      %dma_start3A_628 = arith.constant 0 : i32
      %dma_start3A_629 = tpu.memref_slice %arg6[%dma_start3A_626, %dma_start3A_627, %dma_start3A_628] : memref<8x64x128xf32, #tpu.memory_space<vmem>> -> memref<1x64x128xf32, #tpu.memory_space<vmem>>
      %dma_start3A_630 = tpu.memref_squeeze %dma_start3A_629 : memref<1x64x128xf32, #tpu.memory_space<vmem>> -> memref<64x128xf32, #tpu.memory_space<vmem>>
      %dma_start3A_631 = tpu.memref_slice %arg5[%select_n3A_607, %mul3A_625] : memref<256x128xi32, #tpu.memory_space<vmem>> -> memref<1x64xi32, #tpu.memory_space<vmem>>
      %dma_start3A_632 = tpu.memref_squeeze %dma_start3A_631 : memref<1x64xi32, #tpu.memory_space<vmem>> -> memref<64xi32, #tpu.memory_space<vmem>>
      %dma_start3A_633 = arith.constant 0 : i32
      %dma_start3A_634 = arith.constant 0 : i32
      %dma_start3A_635 = tpu.memref_slice %arg7[%dma_start3A_633, %dma_start3A_634] : memref<104x128xf32, #tpu.memory_space<vmem_shared>> -> memref<104x128xf32, #tpu.memory_space<vmem_shared>>
      tpu.enqueue_indirect_dma source(%dma_start3A_635 : memref<104x128xf32, #tpu.memory_space<vmem_shared>>) target(%dma_start3A_630 : memref<64x128xf32, #tpu.memory_space<vmem>>) offsets(%dma_start3A_632 : memref<64xi32, #tpu.memory_space<vmem>>) semaphore(%arg15 : memref<!tpu.dma_semaphore, #tpu.memory_space<semaphore_mem>>)
      %dma_wait3A_636 = arith.constant 0 : i32
      %dma_wait3A_637 = arith.constant 4 : i32
      %dma_wait3A_638 = arith.constant 0 : i32
      %dma_wait3A_639 = arith.constant 0 : i32
      %dma_wait3A_640 = tpu.memref_slice %arg6[%dma_wait3A_637, %dma_wait3A_638, %dma_wait3A_639] : memref<8x64x128xf32, #tpu.memory_space<vmem>> -> memref<1x64x128xf32, #tpu.memory_space<vmem>>
      %dma_wait3A_641 = tpu.memref_squeeze %dma_wait3A_640 : memref<1x64x128xf32, #tpu.memory_space<vmem>> -> memref<64x128xf32, #tpu.memory_space<vmem>>
      %dma_wait3A_642 = arith.constant 0 : i32
      %dma_wait3A_643 = tpu.memref_slice %arg5[%dma_wait3A_636, %dma_wait3A_642] : memref<256x128xi32, #tpu.memory_space<vmem>> -> memref<1x64xi32, #tpu.memory_space<vmem>>
      %dma_wait3A_644 = tpu.memref_squeeze %dma_wait3A_643 : memref<1x64xi32, #tpu.memory_space<vmem>> -> memref<64xi32, #tpu.memory_space<vmem>>
      %dma_wait3A_645 = arith.constant 0 : i32
      %dma_wait3A_646 = arith.constant 0 : i32
      %dma_wait3A_647 = tpu.memref_slice %arg7[%dma_wait3A_645, %dma_wait3A_646] : memref<104x128xf32, #tpu.memory_space<vmem_shared>> -> memref<104x128xf32, #tpu.memory_space<vmem_shared>>
      tpu.wait_indirect_dma semaphore(%arg13 : memref<!tpu.dma_semaphore, #tpu.memory_space<semaphore_mem>>) src(%dma_wait3A_647 : memref<104x128xf32, #tpu.memory_space<vmem_shared>>) dst(%dma_wait3A_641 : memref<64x128xf32, #tpu.memory_space<vmem>>)
      %sub3A_648 = arith.constant 2 : i32
      %sub3A_649 = arith.subi %add3A_578, %sub3A_648 : i32
      %mul3A_650 = arith.constant 64 : i32
      %mul3A_651 = arith.muli %sub3A_649, %mul3A_650 : i32
      %add3A_652 = arith.addi %mul3A_2, %mul3A_651 : i32
      %dma_start3A_653 = arith.constant 4 : i32
      %dma_start3A_654 = arith.constant 0 : i32
      %dma_start3A_655 = arith.constant 0 : i32
      %dma_start3A_656 = tpu.memref_slice %arg6[%dma_start3A_653, %dma_start3A_654, %dma_start3A_655] : memref<8x64x128xf32, #tpu.memory_space<vmem>> -> memref<1x64x128xf32, #tpu.memory_space<vmem>>
      %dma_start3A_657 = tpu.memref_squeeze %dma_start3A_656 : memref<1x64x128xf32, #tpu.memory_space<vmem>> -> memref<64x128xf32, #tpu.memory_space<vmem>>
      %dma_start3A_658 = arith.constant 0 : i32
      %dma_start3A_659 = tpu.memref_slice %arg4[%add3A_652, %dma_start3A_658] : memref<1048576x128xf32, #tpu.memory_space<hbm>> -> memref<64x128xf32, #tpu.memory_space<hbm>>
      %dma_start3A_660 = arith.constant 0 : i32
      %dma_start3A_661 = tpu.memref_slice %arg4[%add3A_652, %dma_start3A_660] : memref<1048576x128xf32, #tpu.memory_space<hbm>> -> memref<64x128xf32, #tpu.memory_space<hbm>>
      %dma_start3A_662 = arith.constant 0 : i32
      %dma_start3A_663 = arith.constant 0 : i32
      %dma_start3A_664 = tpu.memref_slice %arg6[%dma_start3A_653, %dma_start3A_662, %dma_start3A_663] : memref<8x64x128xf32, #tpu.memory_space<vmem>> -> memref<1x64x128xf32, #tpu.memory_space<vmem>>
      %dma_start3A_665 = tpu.memref_squeeze %dma_start3A_664 : memref<1x64x128xf32, #tpu.memory_space<vmem>> -> memref<64x128xf32, #tpu.memory_space<vmem>>
      tpu.enqueue_dma source(%dma_start3A_665 : memref<64x128xf32, #tpu.memory_space<vmem>>) target(%dma_start3A_661 : memref<64x128xf32, #tpu.memory_space<hbm>>) target_semaphore(%arg21 : memref<!tpu.dma_semaphore, #tpu.memory_space<semaphore_mem>>)
      %mul3A_666 = arith.constant 8 : i32
      %mul3A_667 = arith.muli %mul3A_666, %scan3A_192 : i32
      %add3A_668 = arith.constant 7 : i32
      %add3A_669 = arith.addi %mul3A_667, %add3A_668 : i32
      %gt3A_670 = arith.constant 0 : i32
      %gt3A_671 = arith.cmpi sgt, %scan3A_192, %gt3A_670 : i32
      %convert_element_type3A_672 = arith.extui %gt3A_671 : i1 to i32
      %cond3A_673 = arith.constant 0 : i32
      %cond3A_674 = arith.cmpi ne, %convert_element_type3A_672, %cond3A_673 : i32
      scf.if %cond3A_674 {
        %dma_wait3A_757 = arith.constant 7 : i32
        %dma_wait3A_758 = arith.constant 0 : i32
        %dma_wait3A_759 = arith.constant 0 : i32
        %dma_wait3A_760 = tpu.memref_slice %arg6[%dma_wait3A_757, %dma_wait3A_758, %dma_wait3A_759] : memref<8x64x128xf32, #tpu.memory_space<vmem>> -> memref<1x64x128xf32, #tpu.memory_space<vmem>>
        %dma_wait3A_761 = tpu.memref_squeeze %dma_wait3A_760 : memref<1x64x128xf32, #tpu.memory_space<vmem>> -> memref<64x128xf32, #tpu.memory_space<vmem>>
        %dma_wait3A_762 = arith.constant 0 : i32
        %dma_wait3A_763 = arith.constant 0 : i32
        %dma_wait3A_764 = tpu.memref_slice %arg4[%dma_wait3A_762, %dma_wait3A_763] : memref<1048576x128xf32, #tpu.memory_space<hbm>> -> memref<64x128xf32, #tpu.memory_space<hbm>>
        %dma_wait3A_765 = arith.constant 0 : i32
        %dma_wait3A_766 = arith.constant 0 : i32
        %dma_wait3A_767 = tpu.memref_slice %arg4[%dma_wait3A_765, %dma_wait3A_766] : memref<1048576x128xf32, #tpu.memory_space<hbm>> -> memref<64x128xf32, #tpu.memory_space<hbm>>
        %dma_wait3A_768 = arith.constant 0 : i32
        %dma_wait3A_769 = arith.constant 0 : i32
        %dma_wait3A_770 = tpu.memref_slice %arg6[%dma_wait3A_757, %dma_wait3A_768, %dma_wait3A_769] : memref<8x64x128xf32, #tpu.memory_space<vmem>> -> memref<1x64x128xf32, #tpu.memory_space<vmem>>
        %dma_wait3A_771 = tpu.memref_squeeze %dma_wait3A_770 : memref<1x64x128xf32, #tpu.memory_space<vmem>> -> memref<64x128xf32, #tpu.memory_space<vmem>>
        tpu.wait_dma2 semaphore(%arg24 : memref<!tpu.dma_semaphore, #tpu.memory_space<semaphore_mem>>) src(%dma_wait3A_771 : memref<64x128xf32, #tpu.memory_space<vmem>>) dst(%dma_wait3A_767 : memref<64x128xf32, #tpu.memory_space<hbm>>)
      } else {
      }
      %jit3A_675 = arith.constant 2 : i32
      %div3A_676 = arith.divsi %add3A_669, %jit3A_675 : i32
      %sign3A_677 = arith.constant 0 : i32
      %sign3A_678 = arith.cmpi sgt, %add3A_669, %sign3A_677 : i32
      %sign3A_679 = arith.extui %sign3A_678 : i1 to i32
      %sign3A_680 = arith.constant 0 : i32
      %sign3A_681 = arith.cmpi slt, %add3A_669, %sign3A_680 : i32
      %sign3A_682 = arith.extui %sign3A_681 : i1 to i32
      %sign3A_683 = arith.subi %sign3A_679, %sign3A_682 : i32
      %sign3A_684 = arith.constant 0 : i32
      %sign3A_685 = arith.cmpi sgt, %jit3A_675, %sign3A_684 : i32
      %sign3A_686 = arith.extui %sign3A_685 : i1 to i32
      %sign3A_687 = arith.constant 0 : i32
      %sign3A_688 = arith.cmpi slt, %jit3A_675, %sign3A_687 : i32
      %sign3A_689 = arith.extui %sign3A_688 : i1 to i32
      %sign3A_690 = arith.subi %sign3A_686, %sign3A_689 : i32
      %ne3A_691 = arith.cmpi ne, %sign3A_683, %sign3A_690 : i32
      %rem3A_692 = arith.remsi %add3A_669, %jit3A_675 : i32
      %ne3A_693 = arith.constant 0 : i32
      %ne3A_694 = arith.cmpi ne, %rem3A_692, %ne3A_693 : i32
      %and3A_695 = arith.andi %ne3A_691, %ne3A_694 : i1
      %sub3A_696 = arith.constant 1 : i32
      %sub3A_697 = arith.subi %div3A_676, %sub3A_696 : i32
      %select_n3A_698 = arith.select %and3A_695, %sub3A_697, %div3A_676 : i32
      %jit3A_699 = arith.constant 2 : i32
      %eq3A_700 = arith.constant 0 : i32
      %eq3A_701 = arith.cmpi eq, %jit3A_699, %eq3A_700 : i32
      %jit3A_702 = arith.constant 1 : i32
      %select_n3A_703 = arith.select %eq3A_701, %jit3A_702, %jit3A_699 : i32
      %rem3A_704 = arith.remsi %add3A_669, %select_n3A_703 : i32
      %ne3A_705 = arith.constant 0 : i32
      %ne3A_706 = arith.cmpi ne, %rem3A_704, %ne3A_705 : i32
      %lt3A_707 = arith.constant 0 : i32
      %lt3A_708 = arith.cmpi slt, %rem3A_704, %lt3A_707 : i32
      %lt3A_709 = arith.constant 0 : i32
      %lt3A_710 = arith.cmpi slt, %select_n3A_703, %lt3A_709 : i32
      %ne3A_711 = arith.xori %lt3A_708, %lt3A_710 : i1
      %and3A_712 = arith.andi %ne3A_711, %ne3A_706 : i1
      %add3A_713 = arith.addi %rem3A_704, %select_n3A_703 : i32
      %select_n3A_714 = arith.select %and3A_712, %add3A_713, %rem3A_704 : i32
      %mul3A_715 = arith.constant 64 : i32
      %mul3A_716 = arith.muli %select_n3A_714, %mul3A_715 : i32
      %dma_start3A_717 = arith.constant 7 : i32
      %dma_start3A_718 = arith.constant 0 : i32
      %dma_start3A_719 = arith.constant 0 : i32
      %dma_start3A_720 = tpu.memref_slice %arg6[%dma_start3A_717, %dma_start3A_718, %dma_start3A_719] : memref<8x64x128xf32, #tpu.memory_space<vmem>> -> memref<1x64x128xf32, #tpu.memory_space<vmem>>
      %dma_start3A_721 = tpu.memref_squeeze %dma_start3A_720 : memref<1x64x128xf32, #tpu.memory_space<vmem>> -> memref<64x128xf32, #tpu.memory_space<vmem>>
      %dma_start3A_722 = tpu.memref_slice %arg5[%select_n3A_698, %mul3A_716] : memref<256x128xi32, #tpu.memory_space<vmem>> -> memref<1x64xi32, #tpu.memory_space<vmem>>
      %dma_start3A_723 = tpu.memref_squeeze %dma_start3A_722 : memref<1x64xi32, #tpu.memory_space<vmem>> -> memref<64xi32, #tpu.memory_space<vmem>>
      %dma_start3A_724 = arith.constant 0 : i32
      %dma_start3A_725 = arith.constant 0 : i32
      %dma_start3A_726 = tpu.memref_slice %arg7[%dma_start3A_724, %dma_start3A_725] : memref<104x128xf32, #tpu.memory_space<vmem_shared>> -> memref<104x128xf32, #tpu.memory_space<vmem_shared>>
      tpu.enqueue_indirect_dma source(%dma_start3A_726 : memref<104x128xf32, #tpu.memory_space<vmem_shared>>) target(%dma_start3A_721 : memref<64x128xf32, #tpu.memory_space<vmem>>) offsets(%dma_start3A_723 : memref<64xi32, #tpu.memory_space<vmem>>) semaphore(%arg16 : memref<!tpu.dma_semaphore, #tpu.memory_space<semaphore_mem>>)
      %dma_wait3A_727 = arith.constant 0 : i32
      %dma_wait3A_728 = arith.constant 5 : i32
      %dma_wait3A_729 = arith.constant 0 : i32
      %dma_wait3A_730 = arith.constant 0 : i32
      %dma_wait3A_731 = tpu.memref_slice %arg6[%dma_wait3A_728, %dma_wait3A_729, %dma_wait3A_730] : memref<8x64x128xf32, #tpu.memory_space<vmem>> -> memref<1x64x128xf32, #tpu.memory_space<vmem>>
      %dma_wait3A_732 = tpu.memref_squeeze %dma_wait3A_731 : memref<1x64x128xf32, #tpu.memory_space<vmem>> -> memref<64x128xf32, #tpu.memory_space<vmem>>
      %dma_wait3A_733 = arith.constant 0 : i32
      %dma_wait3A_734 = tpu.memref_slice %arg5[%dma_wait3A_727, %dma_wait3A_733] : memref<256x128xi32, #tpu.memory_space<vmem>> -> memref<1x64xi32, #tpu.memory_space<vmem>>
      %dma_wait3A_735 = tpu.memref_squeeze %dma_wait3A_734 : memref<1x64xi32, #tpu.memory_space<vmem>> -> memref<64xi32, #tpu.memory_space<vmem>>
      %dma_wait3A_736 = arith.constant 0 : i32
      %dma_wait3A_737 = arith.constant 0 : i32
      %dma_wait3A_738 = tpu.memref_slice %arg7[%dma_wait3A_736, %dma_wait3A_737] : memref<104x128xf32, #tpu.memory_space<vmem_shared>> -> memref<104x128xf32, #tpu.memory_space<vmem_shared>>
      tpu.wait_indirect_dma semaphore(%arg14 : memref<!tpu.dma_semaphore, #tpu.memory_space<semaphore_mem>>) src(%dma_wait3A_738 : memref<104x128xf32, #tpu.memory_space<vmem_shared>>) dst(%dma_wait3A_732 : memref<64x128xf32, #tpu.memory_space<vmem>>)
      %sub3A_739 = arith.constant 2 : i32
      %sub3A_740 = arith.subi %add3A_669, %sub3A_739 : i32
      %mul3A_741 = arith.constant 64 : i32
      %mul3A_742 = arith.muli %sub3A_740, %mul3A_741 : i32
      %add3A_743 = arith.addi %mul3A_2, %mul3A_742 : i32
      %dma_start3A_744 = arith.constant 5 : i32
      %dma_start3A_745 = arith.constant 0 : i32
      %dma_start3A_746 = arith.constant 0 : i32
      %dma_start3A_747 = tpu.memref_slice %arg6[%dma_start3A_744, %dma_start3A_745, %dma_start3A_746] : memref<8x64x128xf32, #tpu.memory_space<vmem>> -> memref<1x64x128xf32, #tpu.memory_space<vmem>>
      %dma_start3A_748 = tpu.memref_squeeze %dma_start3A_747 : memref<1x64x128xf32, #tpu.memory_space<vmem>> -> memref<64x128xf32, #tpu.memory_space<vmem>>
      %dma_start3A_749 = arith.constant 0 : i32
      %dma_start3A_750 = tpu.memref_slice %arg4[%add3A_743, %dma_start3A_749] : memref<1048576x128xf32, #tpu.memory_space<hbm>> -> memref<64x128xf32, #tpu.memory_space<hbm>>
      %dma_start3A_751 = arith.constant 0 : i32
      %dma_start3A_752 = tpu.memref_slice %arg4[%add3A_743, %dma_start3A_751] : memref<1048576x128xf32, #tpu.memory_space<hbm>> -> memref<64x128xf32, #tpu.memory_space<hbm>>
      %dma_start3A_753 = arith.constant 0 : i32
      %dma_start3A_754 = arith.constant 0 : i32
      %dma_start3A_755 = tpu.memref_slice %arg6[%dma_start3A_744, %dma_start3A_753, %dma_start3A_754] : memref<8x64x128xf32, #tpu.memory_space<vmem>> -> memref<1x64x128xf32, #tpu.memory_space<vmem>>
      %dma_start3A_756 = tpu.memref_squeeze %dma_start3A_755 : memref<1x64x128xf32, #tpu.memory_space<vmem>> -> memref<64x128xf32, #tpu.memory_space<vmem>>
      tpu.enqueue_dma source(%dma_start3A_756 : memref<64x128xf32, #tpu.memory_space<vmem>>) target(%dma_start3A_752 : memref<64x128xf32, #tpu.memory_space<hbm>>) target_semaphore(%arg22 : memref<!tpu.dma_semaphore, #tpu.memory_space<semaphore_mem>>)
    }
    %scan3A_17 = arith.constant 64 : i32
    %dma_wait3A_18 = arith.constant 0 : i32
    %dma_wait3A_19 = arith.constant 6 : i32
    %dma_wait3A_20 = arith.constant 0 : i32
    %dma_wait3A_21 = arith.constant 0 : i32
    %dma_wait3A_22 = tpu.memref_slice %arg6[%dma_wait3A_19, %dma_wait3A_20, %dma_wait3A_21] : memref<8x64x128xf32, #tpu.memory_space<vmem>> -> memref<1x64x128xf32, #tpu.memory_space<vmem>>
    %dma_wait3A_23 = tpu.memref_squeeze %dma_wait3A_22 : memref<1x64x128xf32, #tpu.memory_space<vmem>> -> memref<64x128xf32, #tpu.memory_space<vmem>>
    %dma_wait3A_24 = arith.constant 0 : i32
    %dma_wait3A_25 = tpu.memref_slice %arg5[%dma_wait3A_18, %dma_wait3A_24] : memref<256x128xi32, #tpu.memory_space<vmem>> -> memref<1x64xi32, #tpu.memory_space<vmem>>
    %dma_wait3A_26 = tpu.memref_squeeze %dma_wait3A_25 : memref<1x64xi32, #tpu.memory_space<vmem>> -> memref<64xi32, #tpu.memory_space<vmem>>
    %dma_wait3A_27 = arith.constant 0 : i32
    %dma_wait3A_28 = arith.constant 0 : i32
    %dma_wait3A_29 = tpu.memref_slice %arg7[%dma_wait3A_27, %dma_wait3A_28] : memref<104x128xf32, #tpu.memory_space<vmem_shared>> -> memref<104x128xf32, #tpu.memory_space<vmem_shared>>
    tpu.wait_indirect_dma semaphore(%arg15 : memref<!tpu.dma_semaphore, #tpu.memory_space<semaphore_mem>>) src(%dma_wait3A_29 : memref<104x128xf32, #tpu.memory_space<vmem_shared>>) dst(%dma_wait3A_23 : memref<64x128xf32, #tpu.memory_space<vmem>>)
    %add3A_30 = arith.constant 32640 : i32
    %add3A_31 = arith.addi %mul3A_2, %add3A_30 : i32
    %dma_start3A_32 = arith.constant 6 : i32
    %dma_start3A_33 = arith.constant 0 : i32
    %dma_start3A_34 = arith.constant 0 : i32
    %dma_start3A_35 = tpu.memref_slice %arg6[%dma_start3A_32, %dma_start3A_33, %dma_start3A_34] : memref<8x64x128xf32, #tpu.memory_space<vmem>> -> memref<1x64x128xf32, #tpu.memory_space<vmem>>
    %dma_start3A_36 = tpu.memref_squeeze %dma_start3A_35 : memref<1x64x128xf32, #tpu.memory_space<vmem>> -> memref<64x128xf32, #tpu.memory_space<vmem>>
    %dma_start3A_37 = arith.constant 0 : i32
    %dma_start3A_38 = tpu.memref_slice %arg4[%add3A_31, %dma_start3A_37] : memref<1048576x128xf32, #tpu.memory_space<hbm>> -> memref<64x128xf32, #tpu.memory_space<hbm>>
    %dma_start3A_39 = arith.constant 0 : i32
    %dma_start3A_40 = tpu.memref_slice %arg4[%add3A_31, %dma_start3A_39] : memref<1048576x128xf32, #tpu.memory_space<hbm>> -> memref<64x128xf32, #tpu.memory_space<hbm>>
    %dma_start3A_41 = arith.constant 0 : i32
    %dma_start3A_42 = arith.constant 0 : i32
    %dma_start3A_43 = tpu.memref_slice %arg6[%dma_start3A_32, %dma_start3A_41, %dma_start3A_42] : memref<8x64x128xf32, #tpu.memory_space<vmem>> -> memref<1x64x128xf32, #tpu.memory_space<vmem>>
    %dma_start3A_44 = tpu.memref_squeeze %dma_start3A_43 : memref<1x64x128xf32, #tpu.memory_space<vmem>> -> memref<64x128xf32, #tpu.memory_space<vmem>>
    tpu.enqueue_dma source(%dma_start3A_44 : memref<64x128xf32, #tpu.memory_space<vmem>>) target(%dma_start3A_40 : memref<64x128xf32, #tpu.memory_space<hbm>>) target_semaphore(%arg23 : memref<!tpu.dma_semaphore, #tpu.memory_space<semaphore_mem>>)
    %dma_wait3A_45 = arith.constant 0 : i32
    %dma_wait3A_46 = arith.constant 7 : i32
    %dma_wait3A_47 = arith.constant 0 : i32
    %dma_wait3A_48 = arith.constant 0 : i32
    %dma_wait3A_49 = tpu.memref_slice %arg6[%dma_wait3A_46, %dma_wait3A_47, %dma_wait3A_48] : memref<8x64x128xf32, #tpu.memory_space<vmem>> -> memref<1x64x128xf32, #tpu.memory_space<vmem>>
    %dma_wait3A_50 = tpu.memref_squeeze %dma_wait3A_49 : memref<1x64x128xf32, #tpu.memory_space<vmem>> -> memref<64x128xf32, #tpu.memory_space<vmem>>
    %dma_wait3A_51 = arith.constant 0 : i32
    %dma_wait3A_52 = tpu.memref_slice %arg5[%dma_wait3A_45, %dma_wait3A_51] : memref<256x128xi32, #tpu.memory_space<vmem>> -> memref<1x64xi32, #tpu.memory_space<vmem>>
    %dma_wait3A_53 = tpu.memref_squeeze %dma_wait3A_52 : memref<1x64xi32, #tpu.memory_space<vmem>> -> memref<64xi32, #tpu.memory_space<vmem>>
    %dma_wait3A_54 = arith.constant 0 : i32
    %dma_wait3A_55 = arith.constant 0 : i32
    %dma_wait3A_56 = tpu.memref_slice %arg7[%dma_wait3A_54, %dma_wait3A_55] : memref<104x128xf32, #tpu.memory_space<vmem_shared>> -> memref<104x128xf32, #tpu.memory_space<vmem_shared>>
    tpu.wait_indirect_dma semaphore(%arg16 : memref<!tpu.dma_semaphore, #tpu.memory_space<semaphore_mem>>) src(%dma_wait3A_56 : memref<104x128xf32, #tpu.memory_space<vmem_shared>>) dst(%dma_wait3A_50 : memref<64x128xf32, #tpu.memory_space<vmem>>)
    %add3A_57 = arith.constant 32704 : i32
    %add3A_58 = arith.addi %mul3A_2, %add3A_57 : i32
    %dma_start3A_59 = arith.constant 7 : i32
    %dma_start3A_60 = arith.constant 0 : i32
    %dma_start3A_61 = arith.constant 0 : i32
    %dma_start3A_62 = tpu.memref_slice %arg6[%dma_start3A_59, %dma_start3A_60, %dma_start3A_61] : memref<8x64x128xf32, #tpu.memory_space<vmem>> -> memref<1x64x128xf32, #tpu.memory_space<vmem>>
    %dma_start3A_63 = tpu.memref_squeeze %dma_start3A_62 : memref<1x64x128xf32, #tpu.memory_space<vmem>> -> memref<64x128xf32, #tpu.memory_space<vmem>>
    %dma_start3A_64 = arith.constant 0 : i32
    %dma_start3A_65 = tpu.memref_slice %arg4[%add3A_58, %dma_start3A_64] : memref<1048576x128xf32, #tpu.memory_space<hbm>> -> memref<64x128xf32, #tpu.memory_space<hbm>>
    %dma_start3A_66 = arith.constant 0 : i32
    %dma_start3A_67 = tpu.memref_slice %arg4[%add3A_58, %dma_start3A_66] : memref<1048576x128xf32, #tpu.memory_space<hbm>> -> memref<64x128xf32, #tpu.memory_space<hbm>>
    %dma_start3A_68 = arith.constant 0 : i32
    %dma_start3A_69 = arith.constant 0 : i32
    %dma_start3A_70 = tpu.memref_slice %arg6[%dma_start3A_59, %dma_start3A_68, %dma_start3A_69] : memref<8x64x128xf32, #tpu.memory_space<vmem>> -> memref<1x64x128xf32, #tpu.memory_space<vmem>>
    %dma_start3A_71 = tpu.memref_squeeze %dma_start3A_70 : memref<1x64x128xf32, #tpu.memory_space<vmem>> -> memref<64x128xf32, #tpu.memory_space<vmem>>
    tpu.enqueue_dma source(%dma_start3A_71 : memref<64x128xf32, #tpu.memory_space<vmem>>) target(%dma_start3A_67 : memref<64x128xf32, #tpu.memory_space<hbm>>) target_semaphore(%arg24 : memref<!tpu.dma_semaphore, #tpu.memory_space<semaphore_mem>>)
    %dma_wait3A_72 = arith.constant 0 : i32
    %dma_wait3A_73 = arith.constant 0 : i32
    %dma_wait3A_74 = arith.constant 0 : i32
    %dma_wait3A_75 = tpu.memref_slice %arg6[%dma_wait3A_72, %dma_wait3A_73, %dma_wait3A_74] : memref<8x64x128xf32, #tpu.memory_space<vmem>> -> memref<1x64x128xf32, #tpu.memory_space<vmem>>
    %dma_wait3A_76 = tpu.memref_squeeze %dma_wait3A_75 : memref<1x64x128xf32, #tpu.memory_space<vmem>> -> memref<64x128xf32, #tpu.memory_space<vmem>>
    %dma_wait3A_77 = arith.constant 0 : i32
    %dma_wait3A_78 = arith.constant 0 : i32
    %dma_wait3A_79 = tpu.memref_slice %arg4[%dma_wait3A_77, %dma_wait3A_78] : memref<1048576x128xf32, #tpu.memory_space<hbm>> -> memref<64x128xf32, #tpu.memory_space<hbm>>
    %dma_wait3A_80 = arith.constant 0 : i32
    %dma_wait3A_81 = arith.constant 0 : i32
    %dma_wait3A_82 = tpu.memref_slice %arg4[%dma_wait3A_80, %dma_wait3A_81] : memref<1048576x128xf32, #tpu.memory_space<hbm>> -> memref<64x128xf32, #tpu.memory_space<hbm>>
    %dma_wait3A_83 = arith.constant 0 : i32
    %dma_wait3A_84 = arith.constant 0 : i32
    %dma_wait3A_85 = tpu.memref_slice %arg6[%dma_wait3A_72, %dma_wait3A_83, %dma_wait3A_84] : memref<8x64x128xf32, #tpu.memory_space<vmem>> -> memref<1x64x128xf32, #tpu.memory_space<vmem>>
    %dma_wait3A_86 = tpu.memref_squeeze %dma_wait3A_85 : memref<1x64x128xf32, #tpu.memory_space<vmem>> -> memref<64x128xf32, #tpu.memory_space<vmem>>
    tpu.wait_dma2 semaphore(%arg17 : memref<!tpu.dma_semaphore, #tpu.memory_space<semaphore_mem>>) src(%dma_wait3A_86 : memref<64x128xf32, #tpu.memory_space<vmem>>) dst(%dma_wait3A_82 : memref<64x128xf32, #tpu.memory_space<hbm>>)
    %dma_wait3A_87 = arith.constant 1 : i32
    %dma_wait3A_88 = arith.constant 0 : i32
    %dma_wait3A_89 = arith.constant 0 : i32
    %dma_wait3A_90 = tpu.memref_slice %arg6[%dma_wait3A_87, %dma_wait3A_88, %dma_wait3A_89] : memref<8x64x128xf32, #tpu.memory_space<vmem>> -> memref<1x64x128xf32, #tpu.memory_space<vmem>>
    %dma_wait3A_91 = tpu.memref_squeeze %dma_wait3A_90 : memref<1x64x128xf32, #tpu.memory_space<vmem>> -> memref<64x128xf32, #tpu.memory_space<vmem>>
    %dma_wait3A_92 = arith.constant 0 : i32
    %dma_wait3A_93 = arith.constant 0 : i32
    %dma_wait3A_94 = tpu.memref_slice %arg4[%dma_wait3A_92, %dma_wait3A_93] : memref<1048576x128xf32, #tpu.memory_space<hbm>> -> memref<64x128xf32, #tpu.memory_space<hbm>>
    %dma_wait3A_95 = arith.constant 0 : i32
    %dma_wait3A_96 = arith.constant 0 : i32
    %dma_wait3A_97 = tpu.memref_slice %arg4[%dma_wait3A_95, %dma_wait3A_96] : memref<1048576x128xf32, #tpu.memory_space<hbm>> -> memref<64x128xf32, #tpu.memory_space<hbm>>
    %dma_wait3A_98 = arith.constant 0 : i32
    %dma_wait3A_99 = arith.constant 0 : i32
    %dma_wait3A_100 = tpu.memref_slice %arg6[%dma_wait3A_87, %dma_wait3A_98, %dma_wait3A_99] : memref<8x64x128xf32, #tpu.memory_space<vmem>> -> memref<1x64x128xf32, #tpu.memory_space<vmem>>
    %dma_wait3A_101 = tpu.memref_squeeze %dma_wait3A_100 : memref<1x64x128xf32, #tpu.memory_space<vmem>> -> memref<64x128xf32, #tpu.memory_space<vmem>>
    tpu.wait_dma2 semaphore(%arg18 : memref<!tpu.dma_semaphore, #tpu.memory_space<semaphore_mem>>) src(%dma_wait3A_101 : memref<64x128xf32, #tpu.memory_space<vmem>>) dst(%dma_wait3A_97 : memref<64x128xf32, #tpu.memory_space<hbm>>)
    %dma_wait3A_102 = arith.constant 2 : i32
    %dma_wait3A_103 = arith.constant 0 : i32
    %dma_wait3A_104 = arith.constant 0 : i32
    %dma_wait3A_105 = tpu.memref_slice %arg6[%dma_wait3A_102, %dma_wait3A_103, %dma_wait3A_104] : memref<8x64x128xf32, #tpu.memory_space<vmem>> -> memref<1x64x128xf32, #tpu.memory_space<vmem>>
    %dma_wait3A_106 = tpu.memref_squeeze %dma_wait3A_105 : memref<1x64x128xf32, #tpu.memory_space<vmem>> -> memref<64x128xf32, #tpu.memory_space<vmem>>
    %dma_wait3A_107 = arith.constant 0 : i32
    %dma_wait3A_108 = arith.constant 0 : i32
    %dma_wait3A_109 = tpu.memref_slice %arg4[%dma_wait3A_107, %dma_wait3A_108] : memref<1048576x128xf32, #tpu.memory_space<hbm>> -> memref<64x128xf32, #tpu.memory_space<hbm>>
    %dma_wait3A_110 = arith.constant 0 : i32
    %dma_wait3A_111 = arith.constant 0 : i32
    %dma_wait3A_112 = tpu.memref_slice %arg4[%dma_wait3A_110, %dma_wait3A_111] : memref<1048576x128xf32, #tpu.memory_space<hbm>> -> memref<64x128xf32, #tpu.memory_space<hbm>>
    %dma_wait3A_113 = arith.constant 0 : i32
    %dma_wait3A_114 = arith.constant 0 : i32
    %dma_wait3A_115 = tpu.memref_slice %arg6[%dma_wait3A_102, %dma_wait3A_113, %dma_wait3A_114] : memref<8x64x128xf32, #tpu.memory_space<vmem>> -> memref<1x64x128xf32, #tpu.memory_space<vmem>>
    %dma_wait3A_116 = tpu.memref_squeeze %dma_wait3A_115 : memref<1x64x128xf32, #tpu.memory_space<vmem>> -> memref<64x128xf32, #tpu.memory_space<vmem>>
    tpu.wait_dma2 semaphore(%arg19 : memref<!tpu.dma_semaphore, #tpu.memory_space<semaphore_mem>>) src(%dma_wait3A_116 : memref<64x128xf32, #tpu.memory_space<vmem>>) dst(%dma_wait3A_112 : memref<64x128xf32, #tpu.memory_space<hbm>>)
    %dma_wait3A_117 = arith.constant 3 : i32
    %dma_wait3A_118 = arith.constant 0 : i32
    %dma_wait3A_119 = arith.constant 0 : i32
    %dma_wait3A_120 = tpu.memref_slice %arg6[%dma_wait3A_117, %dma_wait3A_118, %dma_wait3A_119] : memref<8x64x128xf32, #tpu.memory_space<vmem>> -> memref<1x64x128xf32, #tpu.memory_space<vmem>>
    %dma_wait3A_121 = tpu.memref_squeeze %dma_wait3A_120 : memref<1x64x128xf32, #tpu.memory_space<vmem>> -> memref<64x128xf32, #tpu.memory_space<vmem>>
    %dma_wait3A_122 = arith.constant 0 : i32
    %dma_wait3A_123 = arith.constant 0 : i32
    %dma_wait3A_124 = tpu.memref_slice %arg4[%dma_wait3A_122, %dma_wait3A_123] : memref<1048576x128xf32, #tpu.memory_space<hbm>> -> memref<64x128xf32, #tpu.memory_space<hbm>>
    %dma_wait3A_125 = arith.constant 0 : i32
    %dma_wait3A_126 = arith.constant 0 : i32
    %dma_wait3A_127 = tpu.memref_slice %arg4[%dma_wait3A_125, %dma_wait3A_126] : memref<1048576x128xf32, #tpu.memory_space<hbm>> -> memref<64x128xf32, #tpu.memory_space<hbm>>
    %dma_wait3A_128 = arith.constant 0 : i32
    %dma_wait3A_129 = arith.constant 0 : i32
    %dma_wait3A_130 = tpu.memref_slice %arg6[%dma_wait3A_117, %dma_wait3A_128, %dma_wait3A_129] : memref<8x64x128xf32, #tpu.memory_space<vmem>> -> memref<1x64x128xf32, #tpu.memory_space<vmem>>
    %dma_wait3A_131 = tpu.memref_squeeze %dma_wait3A_130 : memref<1x64x128xf32, #tpu.memory_space<vmem>> -> memref<64x128xf32, #tpu.memory_space<vmem>>
    tpu.wait_dma2 semaphore(%arg20 : memref<!tpu.dma_semaphore, #tpu.memory_space<semaphore_mem>>) src(%dma_wait3A_131 : memref<64x128xf32, #tpu.memory_space<vmem>>) dst(%dma_wait3A_127 : memref<64x128xf32, #tpu.memory_space<hbm>>)
    %dma_wait3A_132 = arith.constant 4 : i32
    %dma_wait3A_133 = arith.constant 0 : i32
    %dma_wait3A_134 = arith.constant 0 : i32
    %dma_wait3A_135 = tpu.memref_slice %arg6[%dma_wait3A_132, %dma_wait3A_133, %dma_wait3A_134] : memref<8x64x128xf32, #tpu.memory_space<vmem>> -> memref<1x64x128xf32, #tpu.memory_space<vmem>>
    %dma_wait3A_136 = tpu.memref_squeeze %dma_wait3A_135 : memref<1x64x128xf32, #tpu.memory_space<vmem>> -> memref<64x128xf32, #tpu.memory_space<vmem>>
    %dma_wait3A_137 = arith.constant 0 : i32
    %dma_wait3A_138 = arith.constant 0 : i32
    %dma_wait3A_139 = tpu.memref_slice %arg4[%dma_wait3A_137, %dma_wait3A_138] : memref<1048576x128xf32, #tpu.memory_space<hbm>> -> memref<64x128xf32, #tpu.memory_space<hbm>>
    %dma_wait3A_140 = arith.constant 0 : i32
    %dma_wait3A_141 = arith.constant 0 : i32
    %dma_wait3A_142 = tpu.memref_slice %arg4[%dma_wait3A_140, %dma_wait3A_141] : memref<1048576x128xf32, #tpu.memory_space<hbm>> -> memref<64x128xf32, #tpu.memory_space<hbm>>
    %dma_wait3A_143 = arith.constant 0 : i32
    %dma_wait3A_144 = arith.constant 0 : i32
    %dma_wait3A_145 = tpu.memref_slice %arg6[%dma_wait3A_132, %dma_wait3A_143, %dma_wait3A_144] : memref<8x64x128xf32, #tpu.memory_space<vmem>> -> memref<1x64x128xf32, #tpu.memory_space<vmem>>
    %dma_wait3A_146 = tpu.memref_squeeze %dma_wait3A_145 : memref<1x64x128xf32, #tpu.memory_space<vmem>> -> memref<64x128xf32, #tpu.memory_space<vmem>>
    tpu.wait_dma2 semaphore(%arg21 : memref<!tpu.dma_semaphore, #tpu.memory_space<semaphore_mem>>) src(%dma_wait3A_146 : memref<64x128xf32, #tpu.memory_space<vmem>>) dst(%dma_wait3A_142 : memref<64x128xf32, #tpu.memory_space<hbm>>)
    %dma_wait3A_147 = arith.constant 5 : i32
    %dma_wait3A_148 = arith.constant 0 : i32
    %dma_wait3A_149 = arith.constant 0 : i32
    %dma_wait3A_150 = tpu.memref_slice %arg6[%dma_wait3A_147, %dma_wait3A_148, %dma_wait3A_149] : memref<8x64x128xf32, #tpu.memory_space<vmem>> -> memref<1x64x128xf32, #tpu.memory_space<vmem>>
    %dma_wait3A_151 = tpu.memref_squeeze %dma_wait3A_150 : memref<1x64x128xf32, #tpu.memory_space<vmem>> -> memref<64x128xf32, #tpu.memory_space<vmem>>
    %dma_wait3A_152 = arith.constant 0 : i32
    %dma_wait3A_153 = arith.constant 0 : i32
    %dma_wait3A_154 = tpu.memref_slice %arg4[%dma_wait3A_152, %dma_wait3A_153] : memref<1048576x128xf32, #tpu.memory_space<hbm>> -> memref<64x128xf32, #tpu.memory_space<hbm>>
    %dma_wait3A_155 = arith.constant 0 : i32
    %dma_wait3A_156 = arith.constant 0 : i32
    %dma_wait3A_157 = tpu.memref_slice %arg4[%dma_wait3A_155, %dma_wait3A_156] : memref<1048576x128xf32, #tpu.memory_space<hbm>> -> memref<64x128xf32, #tpu.memory_space<hbm>>
    %dma_wait3A_158 = arith.constant 0 : i32
    %dma_wait3A_159 = arith.constant 0 : i32
    %dma_wait3A_160 = tpu.memref_slice %arg6[%dma_wait3A_147, %dma_wait3A_158, %dma_wait3A_159] : memref<8x64x128xf32, #tpu.memory_space<vmem>> -> memref<1x64x128xf32, #tpu.memory_space<vmem>>
    %dma_wait3A_161 = tpu.memref_squeeze %dma_wait3A_160 : memref<1x64x128xf32, #tpu.memory_space<vmem>> -> memref<64x128xf32, #tpu.memory_space<vmem>>
    tpu.wait_dma2 semaphore(%arg22 : memref<!tpu.dma_semaphore, #tpu.memory_space<semaphore_mem>>) src(%dma_wait3A_161 : memref<64x128xf32, #tpu.memory_space<vmem>>) dst(%dma_wait3A_157 : memref<64x128xf32, #tpu.memory_space<hbm>>)
    %dma_wait3A_162 = arith.constant 6 : i32
    %dma_wait3A_163 = arith.constant 0 : i32
    %dma_wait3A_164 = arith.constant 0 : i32
    %dma_wait3A_165 = tpu.memref_slice %arg6[%dma_wait3A_162, %dma_wait3A_163, %dma_wait3A_164] : memref<8x64x128xf32, #tpu.memory_space<vmem>> -> memref<1x64x128xf32, #tpu.memory_space<vmem>>
    %dma_wait3A_166 = tpu.memref_squeeze %dma_wait3A_165 : memref<1x64x128xf32, #tpu.memory_space<vmem>> -> memref<64x128xf32, #tpu.memory_space<vmem>>
    %dma_wait3A_167 = arith.constant 0 : i32
    %dma_wait3A_168 = arith.constant 0 : i32
    %dma_wait3A_169 = tpu.memref_slice %arg4[%dma_wait3A_167, %dma_wait3A_168] : memref<1048576x128xf32, #tpu.memory_space<hbm>> -> memref<64x128xf32, #tpu.memory_space<hbm>>
    %dma_wait3A_170 = arith.constant 0 : i32
    %dma_wait3A_171 = arith.constant 0 : i32
    %dma_wait3A_172 = tpu.memref_slice %arg4[%dma_wait3A_170, %dma_wait3A_171] : memref<1048576x128xf32, #tpu.memory_space<hbm>> -> memref<64x128xf32, #tpu.memory_space<hbm>>
    %dma_wait3A_173 = arith.constant 0 : i32
    %dma_wait3A_174 = arith.constant 0 : i32
    %dma_wait3A_175 = tpu.memref_slice %arg6[%dma_wait3A_162, %dma_wait3A_173, %dma_wait3A_174] : memref<8x64x128xf32, #tpu.memory_space<vmem>> -> memref<1x64x128xf32, #tpu.memory_space<vmem>>
    %dma_wait3A_176 = tpu.memref_squeeze %dma_wait3A_175 : memref<1x64x128xf32, #tpu.memory_space<vmem>> -> memref<64x128xf32, #tpu.memory_space<vmem>>
    tpu.wait_dma2 semaphore(%arg23 : memref<!tpu.dma_semaphore, #tpu.memory_space<semaphore_mem>>) src(%dma_wait3A_176 : memref<64x128xf32, #tpu.memory_space<vmem>>) dst(%dma_wait3A_172 : memref<64x128xf32, #tpu.memory_space<hbm>>)
    %dma_wait3A_177 = arith.constant 7 : i32
    %dma_wait3A_178 = arith.constant 0 : i32
    %dma_wait3A_179 = arith.constant 0 : i32
    %dma_wait3A_180 = tpu.memref_slice %arg6[%dma_wait3A_177, %dma_wait3A_178, %dma_wait3A_179] : memref<8x64x128xf32, #tpu.memory_space<vmem>> -> memref<1x64x128xf32, #tpu.memory_space<vmem>>
    %dma_wait3A_181 = tpu.memref_squeeze %dma_wait3A_180 : memref<1x64x128xf32, #tpu.memory_space<vmem>> -> memref<64x128xf32, #tpu.memory_space<vmem>>
    %dma_wait3A_182 = arith.constant 0 : i32
    %dma_wait3A_183 = arith.constant 0 : i32
    %dma_wait3A_184 = tpu.memref_slice %arg4[%dma_wait3A_182, %dma_wait3A_183] : memref<1048576x128xf32, #tpu.memory_space<hbm>> -> memref<64x128xf32, #tpu.memory_space<hbm>>
    %dma_wait3A_185 = arith.constant 0 : i32
    %dma_wait3A_186 = arith.constant 0 : i32
    %dma_wait3A_187 = tpu.memref_slice %arg4[%dma_wait3A_185, %dma_wait3A_186] : memref<1048576x128xf32, #tpu.memory_space<hbm>> -> memref<64x128xf32, #tpu.memory_space<hbm>>
    %dma_wait3A_188 = arith.constant 0 : i32
    %dma_wait3A_189 = arith.constant 0 : i32
    %dma_wait3A_190 = tpu.memref_slice %arg6[%dma_wait3A_177, %dma_wait3A_188, %dma_wait3A_189] : memref<8x64x128xf32, #tpu.memory_space<vmem>> -> memref<1x64x128xf32, #tpu.memory_space<vmem>>
    %dma_wait3A_191 = tpu.memref_squeeze %dma_wait3A_190 : memref<1x64x128xf32, #tpu.memory_space<vmem>> -> memref<64x128xf32, #tpu.memory_space<vmem>>
    tpu.wait_dma2 semaphore(%arg24 : memref<!tpu.dma_semaphore, #tpu.memory_space<semaphore_mem>>) src(%dma_wait3A_191 : memref<64x128xf32, #tpu.memory_space<vmem>>) dst(%dma_wait3A_187 : memref<64x128xf32, #tpu.memory_space<hbm>>)
    return
  }
}

</mosaic_0001>

<sc_bundles>
// kernel: kernel.3.cloned.1.call-start
scs
__scs_entry_jumppad:
0x0: {  	(pc) =	sbr.rel $0x88, $3  }
0x1: {  	(tag) =	ssettag $0x0;
	lr =	simm.s32 $0x1  }
0x2: {  	[smem:$0x3F9F] =	sst lr;
	_ =	strace $0xD0000000  }
0x3: {  	_ = 	snop  }
0x4: {  	_ = 	snop  }
0x5: {  	_ = 	snop  }
0x6: {  	_ = 	snop  }
0x7: {  	_ = 	snop  }
__scs_overlays_trampoline_lowered:
0x8: {  	[smem:$0x3FAE] =	sst s0  }
0x9: {  	[smem:$0x3FAF] =	sst s1  }
0xa: {  	[smem:$0x3FB0] =	sst s2  }
0xb: {  	[smem:$0x3FB1] =	sst s3  }
0xc: {  	[smem:$0x3FB2] =	sst s4  }
0xd: {  	[smem:$0x3FB3] =	sst s5  }
0xe: {  	[smem:$0x3FB4] =	sst s6  }
0xf: {  	[smem:$0x3FB5] =	sst s7  }
0x10: {  	[smem:$0x3FB6] =	sst s8  }
0x11: {  	[smem:$0x3FB7] =	sst s9;
	s0 =	simm.s32 @!p0 $0x0  }
0x12: {  	s1 =	sld [smem:$0x3F9D];
	s0 =	simm.s32 @p0 $0x1  }
0x13: {  	[smem:$0x3FB8] =	sst s0;
	s0 =	simm.s32 @!p1 $0x0  }
0x14: {  	s2 =	sld [smem:$0x3F9C];
	s0 =	simm.s32 @p1 $0x1  }
0x15: {  	[smem:$0x3FB9] =	sst s0;
	s0 =	simm.s32 @!p2 $0x0  }
0x16: {  	s3 =	sld [smem:$0x3FDB];
	s0 =	simm.s32 @p2 $0x1  }
0x17: {  	s4 =	simm.s32 $0x1BF5;
	[smem:$0x3FBB] =	sst s0  }
0x18: {  	s0 =	sld [smem:$0x3F9E];
	_ =	swait.ge [sflag:s4], $0x0  }
0x19: {  	s7 =	sld [smem:$0x3F9F]  }
0x1a: {  	s8 =	sadd.s32 $0xFFFFE003, lr  }
0x1b: {  	s9 =	sadd.s32 $0xFFFFFEF7, lr;
	s5 =	simm.s32 $0xFFFFFFFF;
	p2 =	slt.u32 s8, $0xFFFFF086  }
0x1c: {  	p1 =	slt.u32 s9, $0xF7A;
	s5 =	simm.s32 @!p2 $0x0  }
0x1d: {  	s5 =	simm.s32 @p1 $0x1;
	p0 =	seq.s32 s7, s2  }
0x1e: {  	s7 =	smul.u32 @!p0 $0xF7A, s2;
	p2 =	seq.s32 @!p0 s5, $0x0  }
0x1f: {  	s9 =	smul.u32 $0xF7A, s1;
	s8 =	simm.s32 @!p0 $0x1BF5;
	p2 =	por !p2, p0  }
0x20: {  	[sflag:s8] =	ssyncset.s32 @!p0 $0xFFFFF086;
	s6 =	sadd.s32 @!p0 s3, s7;
	s7 =	simm.s32 @!p0 $0x108  }
0x21: {  	s3 =	sadd.s32 s3, s9;
	s6 =	sadd.s32 @!p0 $0x88, s6;
	s7 =	simm.s32 @p2 $0x1082  }
0x22: {  	[simem:s7], [sflag:s8] =	dma.local @!p0 [hbm:s6], $0xF7A  }
0x23: {  	s9 =	sor.u32 $0xD0000000, s2;
	s6 =	simm.s32 $0x108;
	_ =	swait.ge @!p0 [sflag:s8], $0x0  }
0x24: {  	s3 =	sadd.s32 $0x88, s3;
	s6 =	simm.s32 @!p1 $0x1082;
	[sflag:s4] =	ssyncset.s32 $0xFFFFF086  }
0x25: {  	[simem:s6], [sflag:s4] =	dma.local [hbm:s3], $0xF7A  }
0x26: {  	[smem:$0x3F9F] =	sst s1;
	(tag) =	ssettag s2;
	_ =	strace s9  }
0x27: {  	s1 =	sld [smem:$0x3FAF]  }
0x28: {  	s2 =	sld [smem:$0x3FB0]  }
0x29: {  	s4 =	sld [smem:$0x3FB2]  }
0x2a: {  	p0 =	seq.s32 s5, $0x0;
	s5 =	sld [smem:$0x3FB3]  }
0x2b: {  	s6 =	sld [smem:$0x3FB4]  }
0x2c: {  	s7 =	sld [smem:$0x3FB5]  }
0x2d: {  	s3 =	simm.s32 $0x108;
	s8 =	sld [smem:$0x3FB6]  }
0x2e: {  	s3 =	simm.s32 @!p0 $0x1082;
	s9 =	sld [smem:$0x3FB7]  }
0x2f: {  	lr =	sadd.s32 s0, s3;
	s0 =	sld [smem:$0x3FAE]  }
0x30: {  	s3 =	sld [smem:$0x3FB1]  }
0x31: {  	[smem:$0x3FBA] =	sst s10  }
0x32: {  	s10 =	sld [smem:$0x3FB8];
	_ =	sdelay $0x3  }
0x33: {  	p0 =	seq.s32 s10, $0x1;
	s10 =	sld [smem:$0x3FBA];
	_ =	sdelay $0x3  }
0x34: {  	[smem:$0x3FBA] =	sst s10  }
0x35: {  	s10 =	sld [smem:$0x3FB9];
	_ =	sdelay $0x3  }
0x36: {  	p1 =	seq.s32 s10, $0x1;
	s10 =	sld [smem:$0x3FBA];
	_ =	sdelay $0x3  }
0x37: {  	[smem:$0x3FBA] =	sst s10  }
0x38: {  	s10 =	sld [smem:$0x3FBB]  }
0x39: {  	_ = 	snop;
	(pc) =	sbr.ind lr, $3  }
0x3a: {  	_ = 	snop  }
0x3b: {  	_ = 	snop  }
0x3c: {  	p2 =	seq.s32 s10, $0x1;
	s10 =	sld [smem:$0x3FBA]  }
0x3d: {  	_ =	shalt  }
0x3e: {  	_ =	shalt  }
0x3f: {  	_ =	shalt  }
0x40: {  	_ =	shalt  }
0x41: {  	_ =	shalt  }
0x42: {  	_ =	shalt  }
0x43: {  	_ =	shalt  }
0x44: {  	_ =	shalt  }
0x45: {  	_ =	shalt  }
0x46: {  	_ =	shalt  }
0x47: {  	_ =	shalt  }
0x48: {  	_ =	shalt  }
0x49: {  	_ =	shalt  }
0x4a: {  	_ =	shalt  }
0x4b: {  	_ =	shalt  }
0x4c: {  	_ =	shalt  }
0x4d: {  	_ =	shalt  }
0x4e: {  	_ =	shalt  }
0x4f: {  	_ =	shalt  }
0x50: {  	_ =	shalt  }
0x51: {  	_ =	shalt  }
0x52: {  	_ =	shalt  }
0x53: {  	_ =	shalt  }
0x54: {  	_ =	shalt  }
0x55: {  	_ =	shalt  }
0x56: {  	_ =	shalt  }
0x57: {  	_ =	shalt  }
0x58: {  	_ =	shalt  }
0x59: {  	_ =	shalt  }
0x5a: {  	_ =	shalt  }
0x5b: {  	_ =	shalt  }
0x5c: {  	_ =	shalt  }
0x5d: {  	_ =	shalt  }
0x5e: {  	_ =	shalt  }
0x5f: {  	_ =	shalt  }
0x60: {  	_ =	shalt  }
0x61: {  	_ =	shalt  }
0x62: {  	_ =	shalt  }
0x63: {  	_ =	shalt  }
0x64: {  	_ =	shalt  }
0x65: {  	_ =	shalt  }
0x66: {  	_ =	shalt  }
0x67: {  	_ =	shalt  }
0x68: {  	_ =	shalt  }
0x69: {  	_ =	shalt  }
0x6a: {  	_ =	shalt  }
0x6b: {  	_ =	shalt  }
0x6c: {  	_ =	shalt  }
0x6d: {  	_ =	shalt  }
0x6e: {  	_ =	shalt  }
0x6f: {  	_ =	shalt  }
0x70: {  	_ =	shalt  }
0x71: {  	_ =	shalt  }
0x72: {  	_ =	shalt  }
0x73: {  	_ =	shalt  }
0x74: {  	_ =	shalt  }
0x75: {  	_ =	shalt  }
0x76: {  	_ =	shalt  }
0x77: {  	_ =	shalt  }
0x78: {  	_ =	shalt  }
0x79: {  	_ =	shalt  }
0x7a: {  	_ =	shalt  }
0x7b: {  	_ =	shalt  }
0x7c: {  	_ =	shalt  }
0x7d: {  	_ =	shalt  }
0x7e: {  	_ =	shalt  }
0x7f: {  	_ =	shalt  }
0x80: {  	_ =	shalt  }
0x81: {  	_ =	shalt  }
0x82: {  	_ =	shalt  }
0x83: {  	_ =	shalt  }
0x84: {  	_ =	shalt  }
0x85: {  	_ =	shalt  }
0x86: {  	_ =	shalt  }
0x87: {  	_ =	shalt  }
.Lfunc_end0:
.L_simem_size_0:
called_computation_lowered:
.L_overlay_start_0:
0x88: {  	s2 =	sld [smem:$0x3FD9]  }
0x89: {  	s3 =	sld [smem:$0x3FFE];
	_ =	sdelay $0x1  }
0x8a: {  	s1 =	srdreg.scid  }
0x8b: {  	s0 =	sand.u32 $0x1, s1  }
0x8c: {  	s17 =	sshll.u32 s0, $0xA;
	s2 =	sadd.s32 s3, s2  }
0x8d: {  	s2 =	sadd.s32 s2, s17  }
0x8e: {  	[smem:$0x3FC6] =	sst s2  }
0x8f: {  	_ = 	snop  }
0x90: {  	s2 =	sld [smem:$0x3FC9]  }
0x91: {  	s18 =	sld [smem:$0x3FD0];
	(tm) =	ssettm $0x1  }
0x92: {  	s4 =	sld [smem:$0x3FFB];
	_ =	sdelay $0x3  }
0x93: {  	_ =	strace s4  }
0x94: {  	s4 =	sld [smem:$0x3FFC];
	_ =	sdelay $0x3  }
0x95: {  	_ =	strace s4  }
0x96: {  	s4 =	sld [smem:$0x3FFD];
	_ =	sdelay $0x3  }
0x97: {  	_ =	strace s4  }
0x98: {  	_ =	strace $0x8FFFFFFF  }
0x99: {  	s19 =	sld [smem:$0x3FDB];
	_ =	sdelay $0x1  }
0x9a: {  	s5 =	simm.s32 $_scs_section_size  }
0x9b: {  	s6 =	simm.s32 $_size__tile_overlayer_lowered;
	s7 =	simm.s32 $_tile_overlayer_lowered  }
0x9c: {  	s22 =	simm.s32 $0x1BFF;
	s21 =	sshll.u32 s7, $0x1;
	s4 =	sadd.s32 s5, s19  }
0x9d: {  	s8 =	simm.s32 $0x0;
	s20 =	sshll.u32 s6, $0x1;
	s6 =	sadd.s32 s21, s4  }
0x9e: {  	[timem:s8], [sflag:s22] =	dma.local [hbm:s6], s20  }
0x9f: {  	_ =	swait.ge [sflag:s22], s20  }
0xa0: {  	s5 =	ssub.s32 $0x0, s20;
	[sflag:s22] =	ssyncset.done $0x0  }
0xa1: {  	[sflag:s22] =	ssyncadd.s32 s5;
	_ =	sdelay $0x1  }
0xa2: {  	s23 =	simm.s32 $0x1B8B  }
0xa3: {  	_ =	swait.ge [sflag:s23], $0x1  }
0xa4: {  	[sflag:s23] =	ssyncset.done $0x0  }
0xa5: {  	s25 =	simm.s32 $0x1B8E;
	s24 =	sld [smem:$0x3FFE];
	[sflag:s23] =	ssyncadd.s32 $0xFFFFFFFF  }
0xa6: {  	s26 =	simm.s32 $execute0_lowered;
	[smem:$0x3FD2] =	sst s25  }
0xa7: {  	s6 =	sshll.u32 s26, $0x1;
	_ =	strace $0x80000046;
	[dreg:$0x1] =	wrdreg $0xFFFFFFFF  }
0xa8: {  	s28 =	simm.s32 $_size_execute0_lowered;
	s4 =	sadd.s32 s4, s6;
	[dreg:$0x0] =	wrdreg $0x0  }
0xa9: {  	s6 =	sshll.u32 s28, $0x1;
	[dreg:$0x2] =	wrdreg s4  }
0xaa: {  	[dreg:$0x3] =	wrdreg s6  }
0xab: {  	[dreg:$0x4] =	wrdreg $0xC0  }
0xac: {  	_ =	task [dreg:s8], $0x5FFFF  }
0xad: {  	[dreg:$0x1] =	wrdreg $0xFFFFFFFF  }
0xae: {  	[dreg:$0x0] =	wrdreg $0x60  }
0xaf: {  	[dreg:$0x2] =	wrdreg s24  }
0xb0: {  	[dreg:$0x3] =	wrdreg s2  }
0xb1: {  	[dreg:$0x4] =	wrdreg s18  }
0xb2: {  	[dreg:$0x5] =	wrdreg $0x180000  }
0xb3: {  	[dreg:$0x6] =	wrdreg $0x9  }
0xb4: {  	_ =	task.clear_ibuf [dreg:s8], $0x7FFFF;
	_ =	strace $0x90000046  }
0xb5: {  	s29 =	simm.s32 $0x9;
	_ =	strace $0x80000048  }
0xb6: {  	_ =	swait.ge [sflag:s29], $0x1  }
0xb7: {  	[sflag:s29] =	ssyncadd.s32 $0xFFFFFFFF  }
0xb8: {  	_ =	strace $0x90000048  }
0xb9: {  	_ =	sfence  }
0xba: {  	s30 =	sld [smem:$0x0];
	_ =	sdelay $0x2  }
0xbb: {  	s31 =	sshll.u32 s1, $0xD;
	s1 =	sshrl.u32 s1, $0x2  }
0xbc: {  	s3 =	sand.u32 $0x4000, s31;
	s1 =	sadd.s32 s1, s30  }
0xbd: {  	s0 =	sor.u32 s3, s0;
	s1 =	sshll.u32 s1, $0x11  }
0xbe: {  	s0 =	sor.u32 s1, s0  }
0xbf: {  	s0 =	sadd.s32 $0x8F2B, s0  }
0xc0: {  	[sflag:s0] =	ssyncadd.remote.s32 $0x1  }
0xc1: {  	_ =	sfence.sel $0xFFFF  }
0xc2: {  	[dreg:$0x0] =	wrdreg $0xFFFFFFFF;
	(pc) =	sbr.abs _section_cstart, $3  }
0xc3: {  	[dreg:$0x1] =	wrdreg $0xFFFFFFFF  }
0xc4: {  	_ =	task.clear_ibuf [dreg:s8], $0x2FFFF;
	_ =	strace $0x9FFFFFFF  }
0xc5: {  	(tm) =	ssettm $0x7FFFFFFF  }
tec
execute0_lowered:
.L_overlay_start_1:
0x0: {  	(tag) =	ssettag $0x1  }
0x1: {  	s0 =	rddreg [dreg:$0x0]  }
0x2: {  	s4 =	rddreg [dreg:$0x1]  }
0x3: {  	s1 =	rddreg [dreg:$0x2]  }
0x4: {  	s2 =	rddreg [dreg:$0x3];
	s3 =	simm.s32 $0x0;
	s5 =	srdreg.scid  }
0x5: {  	s6 =	stileid.u32;
	s14 =	simm.s32 $0x40;
	s15 =	simm.s32 $0xC000  }
0x6: {  	s16 =	simm.s32 $0x2;
	s30 =	simm.s32 $0x8000;
	s17 =	simm.s32 $0xE000  }
0x7: {  	s31 =	simm.s32 $0xA000;
	s18 =	simm.s32 $0x3;
	s19 =	simm.s32 $0x10000  }
0x8: {  	s20 =	simm.s32 $0x4;
	s21 =	simm.s32 $0x12000;
	s22 =	simm.s32 $0x5  }
0x9: {  	[smem:$0x7FF] =	sst s3;
	s8 =	sand.u32 $0x1, s5;
	s0 =	sadd.s32 $0x400, s0  }
0xa: {  	s26 =	sadd.s32 $0x400, s1;
	_ =	strace $0x80000047;
	[dreg:$0x9] =	wrdreg s0  }
0xb: {  	s7 =	sshll.u32 s6, $0x1;
	s29 =	sshll.u32 s6, $0x14;
	[dreg:$0x5] =	wrdreg s26  }
0xc: {  	p0 =	sne.s32 s6, $0x0;
	s5 =	ssub.s32 $0x2, s8;
	[dreg:$0x6] =	wrdreg s30  }
0xd: {  	s7 =	sor.u32 s8, s7;
	s8 =	sshll.u32 s8, $0x13;
	[dreg:$0x7] =	wrdreg s31  }
0xe: {  	s24 =	sshrl.u32 s5, $0x1;
	s25 =	sshll.u32 s7, $0x13;
	s7 =	sshll.u32 s7, $0xC  }
0xf: {  	s26 =	simm.s32 $0x7;
	s0 =	ssub.s32 s5, s24;
	s4 =	sadd.s32 s4, s7  }
0x10: {  	[dreg:$0x8] =	wrdreg s25;
	s5 =	sadd.s32 s1, s25;
	s25 =	simm.s32 $0x14000  }
0x11: {  	s24 =	simm.s32 $0x6;
	[dreg:$0xa] =	wrdreg s4;
	s28 =	sadd.s32 $0x7F800, s5  }
0x12: {  	s7 =	smov.u32 s5;
	s9 =	sadd.s32 $0x7FC00, s5;
	[dreg:$0xb] =	wrdreg s28  }
0x13: {  	s4 =	sadd.s32 s29, s1;
	s0 =	smax.u32 s0, $0x1;
	[dreg:$0xc] =	wrdreg s9  }
0x14: {  	s5 =	simm.s32 $0x16000;
	[dreg:$0xd] =	wrdreg s0;
	s0 =	sshrl.u32 @!p0 s2, $0x3  }
0x15: {  	s11 =	sadd.s32 s8, s4;
	s4 =	simm.s32 $0x0;
	[dreg:$0xe] =	wrdreg s0  }
.LBB2_1:
0x16: {  	[dreg:$0xf] =	wrdreg s4  }
0x17: {  	s0 =	rddreg [dreg:$0xa]  }
0x18: {  	s1 =	rddreg [dreg:$0x9]  }
0x19: {  	[tilespmem:s3], [sflag:$0x1] =	stream.linear.gather [hbm4b:s0+s3], $0x8000, $0x38;
	[tilespmem:$0x18340] =	vst v63  }
0x1a: {  	s4 =	rddreg [dreg:$0xe];
	s0 =	simm.s32 @!p0 $0x1C12  }
0x1b: {  	[spmem:s4], [sflag:s0] =	dma.local @!p0 [hbm:s1], $0x680  }
0x1c: {  	s0 =	simm.s32 @!p0 $0x12  }
0x1d: {  	_ =	swait.ge @!p0 [sflag:s0], $0x680  }
0x1e: {  	[sflag:s0] =	ssyncset.done @!p0 $0x0  }
0x1f: {  	[sflag:s0] =	ssyncadd.s32 @!p0 $0xFFFFF980  }
0x20: {  	s28 =	simm.s32 $0x1;
	[bflag:$0x0] =	sbarrier.arrive $0xFFFF  }
0x21: {  	_ =	swait.ge [sflag:s28], $0x8000  }
0x22: {  	p1 =	por $0x0, $0x0;
	[sflag:s28] =	ssyncset.done $0x0  }
0x23: {  	s0 =	simm.s32 @p1 $0xA;
	[sflag:s28] =	ssyncadd.s32 $0xFFFF8000  }
0x24: {  	_ =	swait.ge @p1 [sflag:s0], $0x2000  }
0x25: {  	s6 =	simm.s32 @p1 $0x8;
	s13 =	simm.s32 @p1 $0x0;
	[sflag:s0] =	ssyncset.done @p1 $0x0  }
0x26: {  	s4 =	simm.s32 @p1 $0x8000;
	s28 =	simm.s32 @p1 $0x40;
	[sflag:s0] =	ssyncadd.s32 @p1 $0xFFFFE000  }
0x27: {  	[tilespmem:s4], [sflag:$0x2] =	stream.indirect.gather @p1 [spmem:s2], $0x80, s13, s28, $0xb8;
	[tilespmem:$0x18340] =	vst v63  }
0x28: {  	_ =	swait.ge @p1 [sflag:s6], $0x2000  }
0x29: {  	s0 =	sadd.s32 @p1 $0x0, s11;
	s4 =	simm.s32 @p1 $0x14000;
	[sflag:s6] =	ssyncset.done @p1 $0x0  }
0x2a: {  	s13 =	sadd.s32 @p1 $0xFFFFF800, s0;
	[sflag:s6] =	ssyncadd.s32 @p1 $0xFFFFE000;
	s6 =	simm.s32 @p1 $0x0  }
0x2b: {  	[hbm4b:s13+s6] =	stream.linear.scatter @p1 [tilespmem:s4], [sflag:$0x10], $0x2000, $0x38;
	[tilespmem:$0x18340] =	vst v63  }
0x2c: {  	s4 =	simm.s32 @p1 $0xB  }
0x2d: {  	_ =	swait.ge @p1 [sflag:s4], $0x2000  }
0x2e: {  	[sflag:s4] =	ssyncset.done @p1 $0x0  }
0x2f: {  	s13 =	simm.s32 @p1 $0x40;
	[sflag:s4] =	ssyncadd.s32 @p1 $0xFFFFE000;
	s4 =	simm.s32 @p1 $0xA000  }
0x30: {  	[tilespmem:s4], [sflag:$0x3] =	stream.indirect.gather @p1 [spmem:s2], $0x80, s13, s28, $0xb8;
	[tilespmem:$0x18340] =	vst v63  }
0x31: {  	s4 =	simm.s32 @p1 $0x9  }
0x32: {  	_ =	swait.ge @p1 [sflag:s4], $0x2000  }
0x33: {  	s0 =	sadd.s32 @p1 $0xFFFFFC00, s0;
	[sflag:s4] =	ssyncset.done @p1 $0x0  }
0x34: {  	s13 =	simm.s32 @p1 $0x16000;
	s28 =	simm.s32 @p1 $0xC;
	[sflag:s4] =	ssyncadd.s32 @p1 $0xFFFFE000  }
0x35: {  	[hbm4b:s0+s6] =	stream.linear.scatter @p1 [tilespmem:s13], [sflag:$0x11], $0x2000, $0x38;
	[tilespmem:$0x18340] =	vst v63  }
0x36: {  	s4 =	simm.s32 @!p1 $0x8000;
	_ =	swait.ge @p1 [sflag:s28], $0x2000  }
0x37: {  	s0 =	simm.s32 $0x2;
	s6 =	simm.s32 @!p1 $0x40;
	[sflag:s28] =	ssyncset.done @p1 $0x0  }
0x38: {  	s13 =	simm.s32 @!p1 $0x0;
	s0 =	simm.s32 @!p1 $0x2;
	[sflag:s28] =	ssyncadd.s32 @p1 $0xFFFFE000  }
0x39: {  	[tilespmem:s4], [sflag:$0x2] =	stream.indirect.gather @!p1 [spmem:s2], $0x80, s13, s6, $0xb8;
	[tilespmem:$0x18340] =	vst v63  }
0x3a: {  	s1 =	sshll.u32 s0, $0x6;
	s13 =	simm.s32 @!p1 $0xA000  }
0x3b: {  	[tilespmem:s13], [sflag:$0x3] =	stream.indirect.gather @!p1 [spmem:s2], $0x80, s6, s6, $0xb8;
	[tilespmem:$0x18340] =	vst v63  }
0x3c: {  	s4 =	sand.u32 $0x3FFFFFC0, s1  }
0x3d: {  	[tilespmem:s15], [sflag:$0x4] =	stream.indirect.gather [spmem:s2], $0x80, s4, s14, $0xb8;
	[tilespmem:$0x18340] =	vst v63  }
0x3e: {  	_ =	swait.ge [sflag:s16], $0x2000  }
0x3f: {  	s4 =	simm.s32 $0x0;
	[sflag:s16] =	ssyncset.done $0x0  }
0x40: {  	s4 =	simm.s32 @!p1 $0x0;
	s9 =	rddreg [dreg:$0x8];
	[sflag:s16] =	ssyncadd.s32 $0xFFFFE000  }
0x41: {  	p1 =	por $0x1, $0x1;
	s4 =	sadd.s32 s9, s4;
	s10 =	rddreg [dreg:$0x2]  }
0x42: {  	s8 =	rddreg [dreg:$0x6];
	s28 =	simm.s32 @!p1 $0xD;
	s12 =	sadd.s32 s10, s4  }
0x43: {  	[hbm4b:s12+s3] =	stream.linear.scatter [tilespmem:s8], [sflag:$0xA], $0x2000, $0x38;
	[tilespmem:$0x18340] =	vst v63  }
0x44: {  	_ =	swait.ge @!p1 [sflag:s28], $0x2000  }
0x45: {  	[sflag:s28] =	ssyncset.done @!p1 $0x0  }
0x46: {  	s23 =	simm.s32 $0xC0;
	[sflag:s28] =	ssyncadd.s32 @!p1 $0xFFFFE000  }
0x47: {  	[tilespmem:s17], [sflag:$0x5] =	stream.indirect.gather [spmem:s2], $0x80, s23, s14, $0xb8;
	[tilespmem:$0x18340] =	vst v63  }
0x48: {  	_ =	swait.ge [sflag:s18], $0x2000  }
0x49: {  	s6 =	simm.s32 @!p1 $0xE;
	s28 =	rddreg [dreg:$0x5];
	[sflag:s18] =	ssyncset.done $0x0  }
0x4a: {  	s1 =	rddreg [dreg:$0x7];
	[sflag:s18] =	ssyncadd.s32 $0xFFFFE000;
	s4 =	sadd.s32 s4, s28  }
0x4b: {  	[hbm4b:s4+s3] =	stream.linear.scatter [tilespmem:s1], [sflag:$0xB], $0x2000, $0x38;
	[tilespmem:$0x18340] =	vst v63  }
0x4c: {  	_ =	swait.ge @!p1 [sflag:s6], $0x2000  }
0x4d: {  	[sflag:s6] =	ssyncset.done @!p1 $0x0  }
0x4e: {  	s8 =	simm.s32 $0x100;
	[sflag:s6] =	ssyncadd.s32 @!p1 $0xFFFFE000  }
0x4f: {  	[tilespmem:s19], [sflag:$0x6] =	stream.indirect.gather [spmem:s2], $0x80, s8, s14, $0xb8;
	[tilespmem:$0x18340] =	vst v63  }
0x50: {  	_ =	swait.ge [sflag:s20], $0x2000  }
0x51: {  	s0 =	sshll.u32 s0, $0xA;
	[sflag:s20] =	ssyncset.done $0x0  }
0x52: {  	s0 =	sadd.s32 s0, s7;
	s4 =	simm.s32 @!p1 $0xF;
	[sflag:s20] =	ssyncadd.s32 $0xFFFFE000  }
0x53: {  	[hbm4b:s0+s3] =	stream.linear.scatter [tilespmem:s15], [sflag:$0xC], $0x2000, $0x38;
	[tilespmem:$0x18340] =	vst v63  }
0x54: {  	_ =	swait.ge @!p1 [sflag:s4], $0x2000  }
0x55: {  	[sflag:s4] =	ssyncset.done @!p1 $0x0  }
0x56: {  	s9 =	simm.s32 $0x140;
	[sflag:s4] =	ssyncadd.s32 @!p1 $0xFFFFE000  }
0x57: {  	[tilespmem:s21], [sflag:$0x7] =	stream.indirect.gather [spmem:s2], $0x80, s9, s14, $0xb8;
	[tilespmem:$0x18340] =	vst v63  }
0x58: {  	_ =	swait.ge [sflag:s22], $0x2000  }
0x59: {  	s10 =	sadd.s32 $0x0, s11;
	[sflag:s22] =	ssyncset.done $0x0  }
0x5a: {  	s12 =	sadd.s32 $0xC00, s10;
	s6 =	simm.s32 @!p1 $0x10;
	[sflag:s22] =	ssyncadd.s32 $0xFFFFE000  }
0x5b: {  	[hbm4b:s12+s3] =	stream.linear.scatter [tilespmem:s17], [sflag:$0xD], $0x2000, $0x38;
	[tilespmem:$0x18340] =	vst v63  }
0x5c: {  	_ =	swait.ge @!p1 [sflag:s6], $0x2000  }
0x5d: {  	[sflag:s6] =	ssyncset.done @!p1 $0x0  }
0x5e: {  	s13 =	simm.s32 $0x180;
	[sflag:s6] =	ssyncadd.s32 @!p1 $0xFFFFE000  }
0x5f: {  	[tilespmem:s25], [sflag:$0x8] =	stream.indirect.gather [spmem:s2], $0x80, s13, s14, $0xb8;
	[tilespmem:$0x18340] =	vst v63  }
0x60: {  	_ =	swait.ge [sflag:s24], $0x2000  }
0x61: {  	[sflag:s24] =	ssyncset.done $0x0  }
0x62: {  	s23 =	sadd.s32 $0x1000, s10;
	s6 =	simm.s32 @!p1 $0x11;
	[sflag:s24] =	ssyncadd.s32 $0xFFFFE000  }
0x63: {  	[hbm4b:s23+s3] =	stream.linear.scatter [tilespmem:s19], [sflag:$0xE], $0x2000, $0x38;
	[tilespmem:$0x18340] =	vst v63  }
0x64: {  	s29 =	simm.s32 $0x800;
	_ =	swait.ge @!p1 [sflag:s6], $0x2000  }
0x65: {  	s30 =	simm.s32 $0x1000;
	p2 =	por $0x1, $0x1;
	[sflag:s6] =	ssyncset.done @!p1 $0x0  }
0x66: {  	s31 =	simm.s32 $0xA;
	s28 =	simm.s32 $0x1C0;
	[sflag:s6] =	ssyncadd.s32 @!p1 $0xFFFFE000  }
0x67: {  	[tilespmem:s5], [sflag:$0x9] =	stream.indirect.gather [spmem:s2], $0x80, s28, s14, $0xb8;
	[tilespmem:$0x18340] =	vst v63  }
0x68: {  	s13 =	simm.s32 $0x2000;
	s6 =	sadd.s32 $0x1400, s10;
	_ =	swait.ge [sflag:s26], $0x2000  }
.LBB2_2:
0x69: {  	[sflag:s26] =	ssyncset.done $0x0  }
0x6a: {  	s8 =	simm.s32 @p2 $0xA;
	[sflag:s26] =	ssyncadd.s32 $0xFFFFE000  }
0x6b: {  	[hbm4b:s6+s3] =	stream.linear.scatter [tilespmem:s21], [sflag:$0xF], $0x2000, $0x38;
	[tilespmem:$0x18340] =	vst v63  }
0x6c: {  	_ =	swait.ge @p2 [sflag:s8], $0x2000  }
0x6d: {  	s9 =	simm.s32 @p2 $0x8;
	s10 =	sshra.s32 @p2 s29, $0x2;
	[sflag:s8] =	ssyncset.done @p2 $0x0  }
0x6e: {  	s12 =	simm.s32 @p2 $0x40;
	s6 =	simm.s32 @p2 $0x8000;
	[sflag:s8] =	ssyncadd.s32 @p2 $0xFFFFE000  }
0x6f: {  	[tilespmem:s6], [sflag:$0x2] =	stream.indirect.gather @p2 [spmem:s2], $0x80, s10, s12, $0xb8;
	[tilespmem:$0x18340] =	vst v63  }
0x70: {  	s23 =	simm.s32 @p2 $0x0;
	s8 =	sadd.s32 @p2 $0x40, s10;
	_ =	swait.ge @p2 [sflag:s9], $0x2000  }
0x71: {  	s6 =	sadd.s32 @p2 s13, s11;
	s10 =	simm.s32 @p2 $0x14000;
	[sflag:s9] =	ssyncset.done @p2 $0x0  }
0x72: {  	s1 =	sadd.s32 @p2 $0xFFFFF800, s6;
	[sflag:s9] =	ssyncadd.s32 @p2 $0xFFFFE000;
	s9 =	simm.s32 @p2 $0xB  }
0x73: {  	[hbm4b:s1+s23] =	stream.linear.scatter @p2 [tilespmem:s10], [sflag:$0x10], $0x2000, $0x38;
	[tilespmem:$0x18340] =	vst v63  }
0x74: {  	_ =	swait.ge @p2 [sflag:s9], $0x2000  }
0x75: {  	[sflag:s9] =	ssyncset.done @p2 $0x0  }
0x76: {  	s1 =	simm.s32 @p2 $0xA000;
	s10 =	simm.s32 @p2 $0x9;
	[sflag:s9] =	ssyncadd.s32 @p2 $0xFFFFE000  }
0x77: {  	[tilespmem:s1], [sflag:$0x3] =	stream.indirect.gather @p2 [spmem:s2], $0x80, s8, s12, $0xb8;
	[tilespmem:$0x18340] =	vst v63  }
0x78: {  	_ =	swait.ge @p2 [sflag:s10], $0x2000  }
0x79: {  	s6 =	sadd.s32 @p2 $0xFFFFFC00, s6;
	[sflag:s10] =	ssyncset.done @p2 $0x0  }
0x7a: {  	s1 =	simm.s32 @p2 $0x16000;
	s8 =	simm.s32 @p2 $0xC;
	[sflag:s10] =	ssyncadd.s32 @p2 $0xFFFFE000  }
0x7b: {  	[hbm4b:s6+s23] =	stream.linear.scatter @p2 [tilespmem:s1], [sflag:$0x11], $0x2000, $0x38;
	[tilespmem:$0x18340] =	vst v63  }
0x7c: {  	s28 =	smov.u32 s31;
	_ =	swait.ge @p2 [sflag:s8], $0x2000  }
0x7d: {  	s28 =	simm.s32 @!p2 $0x2;
	s9 =	simm.s32 @!p2 $0x0;
	[sflag:s8] =	ssyncset.done @p2 $0x0  }
0x7e: {  	s1 =	simm.s32 @!p2 $0x8000;
	s6 =	simm.s32 @!p2 $0x40;
	[sflag:s8] =	ssyncadd.s32 @p2 $0xFFFFE000  }
0x7f: {  	[tilespmem:s1], [sflag:$0x2] =	stream.indirect.gather @!p2 [spmem:s2], $0x80, s9, s6, $0xb8;
	[tilespmem:$0x18340] =	vst v63  }
0x80: {  	s4 =	sshll.u32 s28, $0x6;
	s1 =	simm.s32 @!p2 $0xA000  }
0x81: {  	[tilespmem:s1], [sflag:$0x3] =	stream.indirect.gather @!p2 [spmem:s2], $0x80, s6, s6, $0xb8;
	[tilespmem:$0x18340] =	vst v63  }
0x82: {  	s10 =	sand.u32 $0x3FFFFFC0, s4  }
0x83: {  	[tilespmem:s15], [sflag:$0x4] =	stream.indirect.gather [spmem:s2], $0x80, s10, s14, $0xb8;
	[tilespmem:$0x18340] =	vst v63  }
0x84: {  	_ =	swait.ge [sflag:s16], $0x2000  }
0x85: {  	s1 =	smov.u32 s13;
	[sflag:s16] =	ssyncset.done $0x0  }
0x86: {  	s1 =	simm.s32 @!p2 $0x0;
	s12 =	rddreg [dreg:$0x8];
	[sflag:s16] =	ssyncadd.s32 $0xFFFFE000  }
0x87: {  	p2 =	seq.s32 s29, $0x0;
	s1 =	sadd.s32 s12, s1;
	s9 =	rddreg [dreg:$0x2]  }
0x88: {  	s8 =	simm.s32 @!p2 $0xD;
	s23 =	rddreg [dreg:$0x6];
	s6 =	sadd.s32 s9, s1  }
0x89: {  	[hbm4b:s6+s3] =	stream.linear.scatter [tilespmem:s23], [sflag:$0xA], $0x2000, $0x38;
	[tilespmem:$0x18340] =	vst v63  }
0x8a: {  	_ =	swait.ge @!p2 [sflag:s8], $0x2000  }
0x8b: {  	s4 =	sshra.s32 s29, $0x2;
	[sflag:s8] =	ssyncset.done @!p2 $0x0  }
0x8c: {  	s10 =	sadd.s32 $0xC0, s4;
	[sflag:s8] =	ssyncadd.s32 @!p2 $0xFFFFE000  }
0x8d: {  	[tilespmem:s17], [sflag:$0x5] =	stream.indirect.gather [spmem:s2], $0x80, s10, s14, $0xb8;
	[tilespmem:$0x18340] =	vst v63  }
0x8e: {  	_ =	swait.ge [sflag:s18], $0x2000  }
0x8f: {  	s0 =	smov.u32 s30;
	s12 =	rddreg [dreg:$0x5]  }
0x90: {  	s29 =	smov.u32 s0;
	[sflag:s18] =	ssyncset.done $0x0;
	s23 =	rddreg [dreg:$0x7]  }
0x91: {  	[sflag:s18] =	ssyncadd.s32 $0xFFFFE000;
	s0 =	sadd.s32 s1, s12;
	s1 =	simm.s32 @!p2 $0xE  }
0x92: {  	[hbm4b:s0+s3] =	stream.linear.scatter [tilespmem:s23], [sflag:$0xB], $0x2000, $0x38;
	[tilespmem:$0x18340] =	vst v63  }
0x93: {  	_ =	swait.ge @!p2 [sflag:s1], $0x2000  }
0x94: {  	[sflag:s1] =	ssyncset.done @!p2 $0x0  }
0x95: {  	s6 =	sadd.s32 $0x100, s4;
	[sflag:s1] =	ssyncadd.s32 @!p2 $0xFFFFE000  }
0x96: {  	[tilespmem:s19], [sflag:$0x6] =	stream.indirect.gather [spmem:s2], $0x80, s6, s14, $0xb8;
	[tilespmem:$0x18340] =	vst v63  }
0x97: {  	_ =	swait.ge [sflag:s20], $0x2000  }
0x98: {  	s8 =	sshll.u32 s28, $0xA;
	[sflag:s20] =	ssyncset.done $0x0  }
0x99: {  	s0 =	sadd.s32 s8, s7;
	s1 =	simm.s32 @!p2 $0xF;
	[sflag:s20] =	ssyncadd.s32 $0xFFFFE000  }
0x9a: {  	[hbm4b:s0+s3] =	stream.linear.scatter [tilespmem:s15], [sflag:$0xC], $0x2000, $0x38;
	[tilespmem:$0x18340] =	vst v63  }
0x9b: {  	_ =	swait.ge @!p2 [sflag:s1], $0x2000  }
0x9c: {  	[sflag:s1] =	ssyncset.done @!p2 $0x0  }
0x9d: {  	s9 =	sadd.s32 $0x140, s4;
	[sflag:s1] =	ssyncadd.s32 @!p2 $0xFFFFE000  }
0x9e: {  	[tilespmem:s21], [sflag:$0x7] =	stream.indirect.gather [spmem:s2], $0x80, s9, s14, $0xb8;
	[tilespmem:$0x18340] =	vst v63  }
0x9f: {  	_ =	swait.ge [sflag:s22], $0x2000  }
0xa0: {  	s10 =	sadd.s32 s13, s11;
	[sflag:s22] =	ssyncset.done $0x0  }
0xa1: {  	s12 =	sadd.s32 $0xC00, s10;
	s8 =	simm.s32 @!p2 $0x10;
	[sflag:s22] =	ssyncadd.s32 $0xFFFFE000  }
0xa2: {  	[hbm4b:s12+s3] =	stream.linear.scatter [tilespmem:s17], [sflag:$0xD], $0x2000, $0x38;
	[tilespmem:$0x18340] =	vst v63  }
0xa3: {  	_ =	swait.ge @!p2 [sflag:s8], $0x2000  }
0xa4: {  	[sflag:s8] =	ssyncset.done @!p2 $0x0  }
0xa5: {  	s23 =	sadd.s32 $0x180, s4;
	[sflag:s8] =	ssyncadd.s32 @!p2 $0xFFFFE000  }
0xa6: {  	[tilespmem:s25], [sflag:$0x8] =	stream.indirect.gather [spmem:s2], $0x80, s23, s14, $0xb8;
	[tilespmem:$0x18340] =	vst v63  }
0xa7: {  	s30 =	sadd.s32 $0x800, s30;
	_ =	swait.ge [sflag:s24], $0x2000  }
0xa8: {  	p1 =	sne.s32 s30, $0x20000;
	[sflag:s24] =	ssyncset.done $0x0  }
0xa9: {  	s0 =	sadd.s32 $0x1000, s10;
	s1 =	simm.s32 @!p2 $0x11;
	[sflag:s24] =	ssyncadd.s32 $0xFFFFE000  }
0xaa: {  	[hbm4b:s0+s3] =	stream.linear.scatter [tilespmem:s19], [sflag:$0xE], $0x2000, $0x38;
	[tilespmem:$0x18340] =	vst v63  }
.Ltmp0:
0xab: {  	_ =	swait.ge @!p2 [sflag:s1], $0x2000;
	(pc) =	sbr.rel @p1 .LBB2_2-.Ltmp0, $4  }
0xac: {  	s31 =	sadd.s32 $0x8, s31;
	[sflag:s1] =	ssyncset.done @!p2 $0x0  }
0xad: {  	s28 =	sadd.s32 $0x1C0, s4;
	s13 =	sadd.s32 $0x2000, s13;
	[sflag:s1] =	ssyncadd.s32 @!p2 $0xFFFFE000  }
0xae: {  	[tilespmem:s5], [sflag:$0x9] =	stream.indirect.gather [spmem:s2], $0x80, s28, s14, $0xb8;
	[tilespmem:$0x18340] =	vst v63  }
0xaf: {  	s6 =	sadd.s32 $0x1400, s10;
	p2 =	sne.s32 s29, $0x0;
	_ =	swait.ge [sflag:s26], $0x2000  }
0xb0: {  	[sflag:s26] =	ssyncset.done $0x0  }
0xb1: {  	s0 =	simm.s32 @p2 $0xA;
	[sflag:s26] =	ssyncadd.s32 $0xFFFFE000  }
0xb2: {  	[hbm4b:s6+s3] =	stream.linear.scatter [tilespmem:s21], [sflag:$0xF], $0x2000, $0x38;
	[tilespmem:$0x18340] =	vst v63  }
0xb3: {  	_ =	swait.ge @p2 [sflag:s0], $0x2000  }
0xb4: {  	s1 =	simm.s32 @p2 $0x8000;
	s4 =	simm.s32 @p2 $0x8;
	[sflag:s0] =	ssyncset.done @p2 $0x0  }
0xb5: {  	s8 =	simm.s32 @p2 $0x40;
	s6 =	sshra.s32 @p2 s29, $0x2;
	[sflag:s0] =	ssyncadd.s32 @p2 $0xFFFFE000  }
0xb6: {  	[tilespmem:s1], [sflag:$0x2] =	stream.indirect.gather @p2 [spmem:s2], $0x80, s6, s8, $0xb8;
	[tilespmem:$0x18340] =	vst v63  }
0xb7: {  	_ =	swait.ge @p2 [sflag:s4], $0x2000  }
0xb8: {  	s0 =	sadd.s32 @p2 s13, s11;
	s1 =	simm.s32 @p2 $0x14000;
	[sflag:s4] =	ssyncset.done @p2 $0x0  }
0xb9: {  	s9 =	sadd.s32 @p2 $0xFFFFF800, s0;
	[sflag:s4] =	ssyncadd.s32 @p2 $0xFFFFE000;
	s4 =	simm.s32 @p2 $0x0  }
0xba: {  	[hbm4b:s9+s4] =	stream.linear.scatter @p2 [tilespmem:s1], [sflag:$0x10], $0x2000, $0x38;
	[tilespmem:$0x18340] =	vst v63  }
0xbb: {  	s1 =	simm.s32 @p2 $0xB  }
0xbc: {  	_ =	swait.ge @p2 [sflag:s1], $0x2000  }
0xbd: {  	[sflag:s1] =	ssyncset.done @p2 $0x0  }
0xbe: {  	s6 =	sadd.s32 @p2 $0x40, s6;
	[sflag:s1] =	ssyncadd.s32 @p2 $0xFFFFE000;
	s1 =	simm.s32 @p2 $0xA000  }
0xbf: {  	[tilespmem:s1], [sflag:$0x3] =	stream.indirect.gather @p2 [spmem:s2], $0x80, s6, s8, $0xb8;
	[tilespmem:$0x18340] =	vst v63  }
0xc0: {  	s1 =	simm.s32 @p2 $0x9  }
0xc1: {  	_ =	swait.ge @p2 [sflag:s1], $0x2000  }
0xc2: {  	[sflag:s1] =	ssyncset.done @p2 $0x0  }
0xc3: {  	s0 =	sadd.s32 @p2 $0xFFFFFC00, s0;
	[sflag:s1] =	ssyncadd.s32 @p2 $0xFFFFE000;
	s1 =	simm.s32 @p2 $0x16000  }
0xc4: {  	[hbm4b:s0+s4] =	stream.linear.scatter @p2 [tilespmem:s1], [sflag:$0x11], $0x2000, $0x38;
	[tilespmem:$0x18340] =	vst v63  }
0xc5: {  	s0 =	simm.s32 @p2 $0xC  }
0xc6: {  	_ =	swait.ge @p2 [sflag:s0], $0x2000  }
0xc7: {  	s31 =	simm.s32 @!p2 $0x2;
	s1 =	simm.s32 @!p2 $0x8000;
	[sflag:s0] =	ssyncset.done @p2 $0x0  }
0xc8: {  	s4 =	simm.s32 @!p2 $0x40;
	[sflag:s0] =	ssyncadd.s32 @p2 $0xFFFFE000;
	s0 =	simm.s32 @!p2 $0x0  }
0xc9: {  	[tilespmem:s1], [sflag:$0x2] =	stream.indirect.gather @!p2 [spmem:s2], $0x80, s0, s4, $0xb8;
	[tilespmem:$0x18340] =	vst v63  }
0xca: {  	s9 =	sshll.u32 s31, $0x6;
	s1 =	simm.s32 @!p2 $0xA000  }
0xcb: {  	[tilespmem:s1], [sflag:$0x3] =	stream.indirect.gather @!p2 [spmem:s2], $0x80, s4, s4, $0xb8;
	[tilespmem:$0x18340] =	vst v63  }
0xcc: {  	s0 =	sand.u32 $0x3FFFFFC0, s9  }
0xcd: {  	[tilespmem:s15], [sflag:$0x4] =	stream.indirect.gather [spmem:s2], $0x80, s0, s14, $0xb8;
	[tilespmem:$0x18340] =	vst v63  }
0xce: {  	_ =	swait.ge [sflag:s16], $0x2000  }
0xcf: {  	s0 =	smov.u32 s13;
	[sflag:s16] =	ssyncset.done $0x0  }
0xd0: {  	s0 =	simm.s32 @!p2 $0x0;
	s12 =	rddreg [dreg:$0x8];
	[sflag:s16] =	ssyncadd.s32 $0xFFFFE000  }
0xd1: {  	p1 =	seq.s32 s29, $0x0;
	s0 =	sadd.s32 s12, s0;
	s23 =	rddreg [dreg:$0x2]  }
0xd2: {  	s1 =	simm.s32 @!p1 $0xD;
	s10 =	rddreg [dreg:$0x6];
	s4 =	sadd.s32 s23, s0  }
0xd3: {  	[hbm4b:s4+s3] =	stream.linear.scatter [tilespmem:s10], [sflag:$0xA], $0x2000, $0x38;
	[tilespmem:$0x18340] =	vst v63  }
0xd4: {  	_ =	swait.ge @!p1 [sflag:s1], $0x2000  }
0xd5: {  	s25 =	sshra.s32 s29, $0x2;
	[sflag:s1] =	ssyncset.done @!p1 $0x0  }
0xd6: {  	s29 =	sadd.s32 $0xC0, s25;
	[sflag:s1] =	ssyncadd.s32 @!p1 $0xFFFFE000  }
0xd7: {  	[tilespmem:s17], [sflag:$0x5] =	stream.indirect.gather [spmem:s2], $0x80, s29, s14, $0xb8;
	[tilespmem:$0x18340] =	vst v63  }
0xd8: {  	_ =	swait.ge [sflag:s18], $0x2000  }
0xd9: {  	s30 =	rddreg [dreg:$0x5];
	[sflag:s18] =	ssyncset.done $0x0  }
0xda: {  	s5 =	rddreg [dreg:$0x7];
	s0 =	sadd.s32 s0, s30;
	[sflag:s18] =	ssyncadd.s32 $0xFFFFE000  }
0xdb: {  	[hbm4b:s0+s3] =	stream.linear.scatter [tilespmem:s5], [sflag:$0xB], $0x2000, $0x38;
	[tilespmem:$0x18340] =	vst v63  }
0xdc: {  	s0 =	simm.s32 @!p1 $0xE  }
0xdd: {  	_ =	swait.ge @!p1 [sflag:s0], $0x2000  }
0xde: {  	[sflag:s0] =	ssyncset.done @!p1 $0x0  }
0xdf: {  	s6 =	sadd.s32 $0x100, s25;
	[sflag:s0] =	ssyncadd.s32 @!p1 $0xFFFFE000  }
0xe0: {  	[tilespmem:s19], [sflag:$0x6] =	stream.indirect.gather [spmem:s2], $0x80, s6, s14, $0xb8;
	[tilespmem:$0x18340] =	vst v63  }
0xe1: {  	_ =	swait.ge [sflag:s20], $0x2000  }
0xe2: {  	s8 =	sshll.u32 s31, $0xA;
	[sflag:s20] =	ssyncset.done $0x0  }
0xe3: {  	s0 =	sadd.s32 s8, s7;
	[sflag:s20] =	ssyncadd.s32 $0xFFFFE000  }
0xe4: {  	[hbm4b:s0+s3] =	stream.linear.scatter [tilespmem:s15], [sflag:$0xC], $0x2000, $0x38;
	[tilespmem:$0x18340] =	vst v63  }
0xe5: {  	s0 =	simm.s32 @!p1 $0xF  }
0xe6: {  	_ =	swait.ge @!p1 [sflag:s0], $0x2000  }
0xe7: {  	[sflag:s0] =	ssyncset.done @!p1 $0x0  }
0xe8: {  	s9 =	sadd.s32 $0x140, s25;
	[sflag:s0] =	ssyncadd.s32 @!p1 $0xFFFFE000  }
0xe9: {  	[tilespmem:s21], [sflag:$0x7] =	stream.indirect.gather [spmem:s2], $0x80, s9, s14, $0xb8;
	[tilespmem:$0x18340] =	vst v63  }
0xea: {  	_ =	swait.ge [sflag:s22], $0x2000  }
0xeb: {  	s10 =	sadd.s32 s13, s11;
	[sflag:s22] =	ssyncset.done $0x0  }
0xec: {  	s12 =	sadd.s32 $0xC00, s10;
	s1 =	simm.s32 @!p1 $0x10;
	[sflag:s22] =	ssyncadd.s32 $0xFFFFE000  }
0xed: {  	[hbm4b:s12+s3] =	stream.linear.scatter [tilespmem:s17], [sflag:$0xD], $0x2000, $0x38;
	[tilespmem:$0x18340] =	vst v63  }
0xee: {  	_ =	swait.ge @!p1 [sflag:s1], $0x2000  }
0xef: {  	[sflag:s1] =	ssyncset.done @!p1 $0x0  }
0xf0: {  	s23 =	simm.s32 $0x14000;
	s13 =	sadd.s32 $0x180, s25;
	[sflag:s1] =	ssyncadd.s32 @!p1 $0xFFFFE000  }
0xf1: {  	[tilespmem:s23], [sflag:$0x8] =	stream.indirect.gather [spmem:s2], $0x80, s13, s14, $0xb8;
	[tilespmem:$0x18340] =	vst v63  }
0xf2: {  	_ =	swait.ge [sflag:s24], $0x2000  }
0xf3: {  	[sflag:s24] =	ssyncset.done $0x0  }
0xf4: {  	s28 =	sadd.s32 $0x1000, s10;
	s1 =	simm.s32 @!p1 $0x11;
	[sflag:s24] =	ssyncadd.s32 $0xFFFFE000  }
0xf5: {  	[hbm4b:s28+s3] =	stream.linear.scatter [tilespmem:s19], [sflag:$0xE], $0x2000, $0x38;
	[tilespmem:$0x18340] =	vst v63  }
0xf6: {  	_ =	swait.ge @!p1 [sflag:s1], $0x2000  }
0xf7: {  	[sflag:s1] =	ssyncset.done @!p1 $0x0  }
0xf8: {  	s29 =	sadd.s32 $0x1C0, s25;
	s30 =	simm.s32 $0x16000;
	[sflag:s1] =	ssyncadd.s32 @!p1 $0xFFFFE000  }
0xf9: {  	[tilespmem:s30], [sflag:$0x9] =	stream.indirect.gather [spmem:s2], $0x80, s29, s14, $0xb8;
	[tilespmem:$0x18340] =	vst v63  }
0xfa: {  	_ =	swait.ge [sflag:s26], $0x2000  }
0xfb: {  	[sflag:s26] =	ssyncset.done $0x0  }
0xfc: {  	s31 =	simm.s32 $0x8;
	s0 =	sadd.s32 $0x1400, s10;
	[sflag:s26] =	ssyncadd.s32 $0xFFFFE000  }
0xfd: {  	[hbm4b:s0+s3] =	stream.linear.scatter [tilespmem:s21], [sflag:$0xF], $0x2000, $0x38;
	[tilespmem:$0x18340] =	vst v63  }
0xfe: {  	_ =	swait.ge [sflag:s31], $0x2000  }
0xff: {  	[sflag:s31] =	ssyncset.done $0x0  }
0x100: {  	s5 =	simm.s32 $0x9;
	s1 =	rddreg [dreg:$0xb];
	[sflag:s31] =	ssyncadd.s32 $0xFFFFE000  }
0x101: {  	[hbm4b:s1+s3] =	stream.linear.scatter [tilespmem:s23], [sflag:$0x10], $0x2000, $0x38;
	[tilespmem:$0x18340] =	vst v63  }
0x102: {  	_ =	swait.ge [sflag:s5], $0x2000  }
0x103: {  	[sflag:s5] =	ssyncset.done $0x0  }
0x104: {  	s8 =	simm.s32 $0xA;
	s6 =	rddreg [dreg:$0xc];
	[sflag:s5] =	ssyncadd.s32 $0xFFFFE000  }
0x105: {  	[hbm4b:s6+s3] =	stream.linear.scatter [tilespmem:s30], [sflag:$0x11], $0x2000, $0x38;
	[tilespmem:$0x18340] =	vst v63  }
0x106: {  	_ =	swait.ge [sflag:s8], $0x2000  }
0x107: {  	[sflag:s8] =	ssyncset.done $0x0  }
0x108: {  	s9 =	simm.s32 $0xB;
	[sflag:s8] =	ssyncadd.s32 $0xFFFFE000  }
0x109: {  	_ =	swait.ge [sflag:s9], $0x2000  }
0x10a: {  	[sflag:s9] =	ssyncset.done $0x0  }
0x10b: {  	s10 =	simm.s32 $0xC;
	[sflag:s9] =	ssyncadd.s32 $0xFFFFE000  }
0x10c: {  	_ =	swait.ge [sflag:s10], $0x2000  }
0x10d: {  	[sflag:s10] =	ssyncset.done $0x0  }
0x10e: {  	s12 =	simm.s32 $0xD;
	[sflag:s10] =	ssyncadd.s32 $0xFFFFE000  }
0x10f: {  	_ =	swait.ge [sflag:s12], $0x2000  }
0x110: {  	[sflag:s12] =	ssyncset.done $0x0  }
0x111: {  	s13 =	simm.s32 $0xE;
	[sflag:s12] =	ssyncadd.s32 $0xFFFFE000  }
0x112: {  	_ =	swait.ge [sflag:s13], $0x2000  }
0x113: {  	[sflag:s13] =	ssyncset.done $0x0  }
0x114: {  	s23 =	simm.s32 $0xF;
	[sflag:s13] =	ssyncadd.s32 $0xFFFFE000  }
0x115: {  	_ =	swait.ge [sflag:s23], $0x2000  }
0x116: {  	[sflag:s23] =	ssyncset.done $0x0  }
0x117: {  	s28 =	simm.s32 $0x10;
	[sflag:s23] =	ssyncadd.s32 $0xFFFFE000  }
0x118: {  	_ =	swait.ge [sflag:s28], $0x2000  }
0x119: {  	[sflag:s28] =	ssyncset.done $0x0  }
0x11a: {  	s29 =	simm.s32 $0x11;
	[sflag:s28] =	ssyncadd.s32 $0xFFFFE000  }
0x11b: {  	_ =	swait.ge [sflag:s29], $0x2000  }
0x11c: {  	s30 =	rddreg [dreg:$0xf]  }
0x11d: {  	s31 =	rddreg [dreg:$0xd];
	s4 =	sadd.s32 $0x1, s30  }
0x11e: {  	p1 =	sne.s32 s4, s31  }
.Ltmp1:
0x11f: {  	_ = 	snop;
	(pc) =	sbr.rel @p1 .LBB2_1-.Ltmp1, $3  }
0x120: {  	_ =	sdelay $0x1  }
0x121: {  	[sflag:s29] =	ssyncset.done $0x0  }
0x122: {  	s25 =	simm.s32 $0x14000;
	s5 =	simm.s32 $0x16000;
	[sflag:s29] =	ssyncadd.s32 $0xFFFFE000  }
0x123: {  	_ =	sfence.sel $0x180000  }
0x124: {  	[bflag:$0x0] =	sbarrier.arrive $0xFFFF  }
0x125: {  	_ =	strace $0x90000047  }
0x126: {  	[bflag:$0x2] =	sbarrier.arrive $0xFFFF  }
0x127: {  	s0 =	rddreg [dreg:$0x4]  }
0x128: {  	s0 =	sadd.s32 @!p0 $0x100000, s0  }
0x129: {  	[sflag:s0] =	ssyncadd.tile.s32 @!p0 $0x1;
	_ =	shalt  }
.Lfunc_end2:
_tile_overlayer_lowered:
.L_overlay_start_2:
0x12a: {  	(tag) =	ssettag $0x2  }
0x12b: {  	s0 =	rddreg [dreg:$0x0];
	s2 =	stileid.u32  }
0x12c: {  	s1 =	rddreg [dreg:$0x1];
	p0 =	sne.s32 s2, $0x0  }
0x12d: {  	s3 =	rddreg [dreg:$0x2];
	[bflag:$0x3] =	sbarrier.arrive $0xFFFF;
	s2 =	simm.s32 @!p0 $0x1C12  }
0x12e: {  	[timem:s3], [sflag:s2] =	dma.local @!p0 [hbm:s0], s1  }
0x12f: {  	s0 =	simm.s32 @!p0 $0x12  }
0x130: {  	_ =	swait.ge @!p0 [sflag:s0], s1  }
0x131: {  	s1 =	ssub.s32 @!p0 $0x0, s1;
	[sflag:s0] =	ssyncset.done @!p0 $0x0  }
0x132: {  	[sflag:s0] =	ssyncadd.s32 @!p0 s1  }
0x133: {  	[bflag:$0x3] =	sbarrier.arrive $0xFFFF  }
0x134: {  	_ =	shalt  }

</sc_bundles>
